<compile_context>
chip_gen: v7x
topology: tpu7x:2x2x1
jax: 0.10.2.dev20260603
libtpu: 0.0.44.dev20260713+nightly
codegen_flags: <defaults>
</compile_context>

<pallas_src>
import functools
from math import sqrt

import numpy as np
import jax
import jax.numpy as jnp
from jax import lax
from jax.experimental import pallas as pl
from jax.experimental.pallas import tpu as pltpu
from jax.experimental.pallas import tpu_sc as plsc

_VOCAB = 1000000
_D = 64
_SEQ = 200
_B = 1024
_PAD_IDX = 0

_NC = 2
_NS = 16
_NW = _NC * _NS
_LANES = 16
_SCALE = float(sqrt(_D))

_VBLK = 256
_NPAIR = _VOCAB // 2
_NBLK_FULL = _VOCAB // _VBLK
_BLK_REM = _VOCAB - _NBLK_FULL * _VBLK
_BLK_PER_W = _NBLK_FULL // _NW
_BLK_EXTRA = _NBLK_FULL % _NW

_SUB = 128
_NSUB = _B // _SUB
_SLAB_PER_W = _SEQ // _NW
_SLAB_EXTRA = _SEQ % _NW


def _pe_table():
    pos = np.arange(_SEQ, dtype=np.float32)[:, None]
    i = np.arange(_D, dtype=np.float32)[None, :]
    angle_rates = 1.0 / np.power(10000.0, (2.0 * np.floor(i / 2.0)) / _D)
    angles = pos * angle_rates
    pe = np.zeros((_SEQ, _D), dtype=np.float32)
    pe[:, 0::2] = np.sin(angles[:, 0::2])
    pe[:, 1::2] = np.cos(angles[:, 1::2])
    return pe


_PE_CONST = _pe_table().reshape(-1)


def _wid():
    return lax.axis_index("s") * _NC + lax.axis_index("c")



def _stage_body(tt_hbm, tail_hbm, stg_hbm, src0, src1, dst0, dst1,
                gs0, gs1, ss0, ss1):
    srcs = (src0, src1)
    dsts = (dst0, dst1)
    gsem = (gs0, gs1)
    ssem = (ss0, ss1)
    w = _wid()
    ntrip = jnp.where(w < _BLK_EXTRA, _BLK_PER_W + 1, _BLK_PER_W)

    iota = lax.iota(jnp.int32, _LANES)

    def blk_of(t):
        return w + t * _NW

    def load_start(t, r):
        v0 = blk_of(t) * _VBLK
        return pltpu.async_copy(
            tt_hbm.at[:, pl.ds(v0, _VBLK)], srcs[r], gsem[r]
        )

    def load_wait(r):
        pltpu.make_async_copy(
            tt_hbm.at[:, pl.ds(0, _VBLK)], srcs[r], gsem[r]
        ).wait()

    def store_start(t, r):
        p0 = blk_of(t) * (_VBLK // 2)
        return pltpu.async_copy(
            dsts[r], stg_hbm.at[pl.ds(p0, _VBLK // 2)], ssem[r]
        )

    def store_wait(r):
        pltpu.make_async_copy(
            stg_hbm.at[pl.ds(0, _VBLK // 2)], dsts[r], ssem[r]
        ).wait()

    def transpose_blk(r, ncols):
        src = srcs[r]
        dst = dsts[r]

        @plsc.parallel_loop(0, ncols, unroll=8)
        def _(c0):
            cvec = (c0 + iota) & (ncols - 1)
            rowvec = lax.shift_right_logical(cvec, 1)
            halfvec = (cvec & 1) * _D
            for kd in range(_D // _LANES):
                dvec = kd * _LANES + iota
                vals = plsc.load_gather(src, [dvec, cvec])
                plsc.store_scatter(dst, [rowvec, halfvec + dvec], vals)

    load_start(jnp.int32(0), 0)

    def trip(t, carry):
        for r in range(2):
            tt = t * 2 + r

            @pl.when(tt < ntrip)
            def _():
                @pl.when(tt + 1 < ntrip)
                def _():
                    @pl.when(tt >= 1)
                    def _():
                        store_wait(1 - r)

                    load_start(tt + 1, 1 - r)

                load_wait(r)
                transpose_blk(r, _VBLK)
                store_start(tt, r)
        return carry

    lax.fori_loop(0, (_BLK_PER_W + 2) // 2, trip, 0)

    @pl.when(ntrip >= 1)
    def _():
        @pl.when((ntrip % 2) == jnp.int32(1))
        def _():
            store_wait(0)

        @pl.when((ntrip % 2) == jnp.int32(0))
        def _():
            store_wait(1)

    @pl.when(ntrip >= 2)
    def _():
        @pl.when((ntrip % 2) == jnp.int32(1))
        def _():
            store_wait(1)

        @pl.when((ntrip % 2) == jnp.int32(0))
        def _():
            store_wait(0)

    @pl.when(w == _NW - 1)
    def _():
        pltpu.sync_copy(tail_hbm, dst0.at[pl.ds(0, _BLK_REM // 2)])
        pltpu.async_copy(
            dst0.at[pl.ds(0, _BLK_REM // 2)],
            stg_hbm.at[pl.ds(_NPAIR - _BLK_REM // 2, _BLK_REM // 2)],
            ss0,
        ).wait()



def _gather_body(stg_hbm, xt_hbm, pe_hbm, out_hbm,
                 idx_v, pidx_v, pe_v, pes_d, out_v, pr0, pr1, gs0, gs1, osem):
    prs = (pr0, pr1)
    gsem = (gs0, gs1)
    w = _wid()
    nslab = jnp.where(w < _SLAB_EXTRA, _SLAB_PER_W + 1, _SLAB_PER_W)

    iota = lax.iota(jnp.int32, _LANES)
    pltpu.sync_copy(pe_hbm, pe_v)

    def gather_start(ss, r):
        return pltpu.async_copy(
            stg_hbm.at[pidx_v.at[pl.ds(ss * _SUB, _SUB)]], prs[r], gsem[r]
        )

    def gather_wait(r):
        pltpu.make_async_copy(
            stg_hbm.at[pidx_v.at[pl.ds(0, _SUB)]], prs[r], gsem[r]
        ).wait()

    def slab_body(si, carry):
        s = w + si * _NW
        pltpu.sync_copy(xt_hbm.at[s], idx_v)

        @plsc.parallel_loop(0, _B // _LANES, unroll=4)
        def _(g):
            sl = pl.ds(g * _LANES, _LANES)
            pidx_v[sl] = lax.shift_right_logical(idx_v[sl], 1)

        gather_start(jnp.int32(0), 0)
        pe0 = s * _D

        @plsc.parallel_loop(0, _D, unroll=4)
        def _(d0):
            pes_d[d0, pl.ds(0, _LANES)] = plsc.load_gather(
                pe_v, [pe0 + ((d0 + iota) & (_D - 1))]
            )

        def sub_body(ss, carry2):
            for r in range(2):
                sscur = ss * 2 + r

                @pl.when(sscur < _NSUB)
                def _():
                    @pl.when(sscur + 1 < _NSUB)
                    def _():
                        gather_start(sscur + 1, 1 - r)

                    gather_wait(r)
                    b0 = sscur * _SUB
                    pairs = prs[r]

                    def group_body(g, carry3):
                        bg = b0 + g * _LANES
                        idxv = idx_v[pl.ds(bg, _LANES)]
                        scalev = jnp.where(
                            idxv == _PAD_IDX,
                            jnp.float32(0.0),
                            jnp.float32(_SCALE),
                        )
                        halfoff = (idxv & 1) * _D
                        rowvec = g * _LANES + iota
                        bvec = bg + iota

                        @plsc.parallel_loop(0, _D, unroll=4)
                        def _(d0):
                            dvec = (d0 + iota) & (_D - 1)
                            vals = plsc.load_gather(
                                pairs, [rowvec, halfoff + dvec]
                            )
                            pevec = pes_d[d0, pl.ds(0, _LANES)]
                            plsc.store_scatter(
                                out_v, [dvec, bvec], vals * scalev + pevec
                            )

                        return carry3

                    lax.fori_loop(0, _SUB // _LANES, group_body, 0)
            return carry2

        lax.fori_loop(0, (_NSUB + 1) // 2, sub_body, 0)

        pltpu.async_copy(out_v, out_hbm.at[s], osem).wait()
        return carry

    lax.fori_loop(0, nslab, slab_body, 0)


_mesh = plsc.VectorSubcoreMesh(core_axis_name="c", subcore_axis_name="s")
_params = pltpu.CompilerParams(
    needs_layout_passes=False, use_tc_tiling_on_sc=True
)

_stage_call = functools.partial(
    pl.kernel,
    mesh=_mesh,
    out_type=jax.ShapeDtypeStruct((_NPAIR, 2 * _D), jnp.float32),
    scratch_types=[
        pltpu.VMEM((_D, _VBLK), jnp.float32),
        pltpu.VMEM((_D, _VBLK), jnp.float32),
        pltpu.VMEM((_VBLK // 2, 2 * _D), jnp.float32),
        pltpu.VMEM((_VBLK // 2, 2 * _D), jnp.float32),
    ]
    + [pltpu.SemaphoreType.DMA for _ in range(4)],
    compiler_params=_params,
)(_stage_body)

_gather_call = functools.partial(
    pl.kernel,
    mesh=_mesh,
    out_type=jax.ShapeDtypeStruct((_SEQ, _D, _B), jnp.float32),
    scratch_types=[
        pltpu.VMEM((_B,), jnp.int32),
        pltpu.VMEM((_B,), jnp.int32),
        pltpu.VMEM((_SEQ * _D,), jnp.float32),
        pltpu.VMEM((_D, _LANES), jnp.float32),
        pltpu.VMEM((_D, _B), jnp.float32),
        pltpu.VMEM((_SUB, 2 * _D), jnp.float32),
        pltpu.VMEM((_SUB, 2 * _D), jnp.float32),
    ]
    + [pltpu.SemaphoreType.DMA for _ in range(3)],
    compiler_params=_params,
)(_gather_body)


@jax.jit
def kernel(x, table):
    xt = x.astype(jnp.int32).T
    tt = table.T
    tail = table[_NBLK_FULL * _VBLK:].reshape(_BLK_REM // 2, 2 * _D)
    stg = _stage_call(tt, tail)
    out = _gather_call(stg, xt, _PE_CONST)
    return out.transpose(2, 0, 1)

# --- scband reference (transcript-rebuilt; emitter-appended) ---
"""Pipeline reference for scband-input-block-3796751089764 (READ-ONLY COPY).

The authoritative reference and input builder live on the scoring server;
editing this copy changes nothing except your own understanding.
"""

import jax, jax.numpy as jnp
import numpy as np
from math import sqrt

VOCAB = 1000000
D = 64
SEQ = 200
PAD_IDX = 0
B = 1024


def _make_pe(seq_len, d):
    pos = np.arange(seq_len, dtype=np.float32)[:, None]
    i = np.arange(d, dtype=np.float32)[None, :]
    angle_rates = 1.0 / np.power(10000.0, (2.0 * np.floor(i / 2.0)) / d)
    angles = pos * angle_rates
    pe = np.zeros((seq_len, d), dtype=np.float32)
    pe[:, 0::2] = np.sin(angles[:, 0::2])
    pe[:, 1::2] = np.cos(angles[:, 1::2])
    return jnp.asarray(pe)


_PE = _make_pe(SEQ, D)


def setup_inputs(seed: int = 0) -> dict:
    key = jax.random.key(seed)
    k1, k2 = jax.random.split(key)
    x = jax.random.randint(k1, (B, SEQ), 0, VOCAB, dtype=jnp.int64 if jax.config.jax_enable_x64 else jnp.int32)
    table = jax.random.normal(k2, (VOCAB, D), dtype=jnp.float32) * 0.02
    return {"x": x, "table": table}


def reference(x, table):
    # nn.Embedding with padding_idx: row at PAD_IDX is zero
    table_m = table.at[PAD_IDX].set(0.0)
    # embedding lookup (gather)
    emb = jnp.take(table_m, x, axis=0)  # (B, SEQ, D)
    # PositionalEncoding: scale by sqrt(d_model) and add sinusoidal PE
    out = emb * sqrt(D) + _PE[None, :, :]
    # dropout in eval mode = identity
    return out

if __name__ == "__main__":
    import jax
    _d = setup_inputs()
    print(jax.jit(kernel)(*tuple(_d.values())))

</pallas_src>

<mosaic_0001>
#map = affine_map<(d0, d1) -> (0, 0)>
module attributes {stable_mosaic.version = 14 : i64} {
  func.func @_stage_body(%arg0: i32, %arg1: i32, %arg2: memref<64x1000000xf32, #tpu.memory_space<hbm>>, %arg3: memref<32x128xf32, #tpu.memory_space<hbm>>, %arg4: memref<500000x128xf32, #tpu.memory_space<hbm>>, %arg5: memref<64x256xf32, #tpu.memory_space<vmem>>, %arg6: memref<64x256xf32, #tpu.memory_space<vmem>>, %arg7: memref<128x128xf32, #tpu.memory_space<vmem>>, %arg8: memref<128x128xf32, #tpu.memory_space<vmem>>, %arg9: memref<!tpu.dma_semaphore, #tpu.memory_space<semaphore_mem>>, %arg10: memref<!tpu.dma_semaphore, #tpu.memory_space<semaphore_mem>>, %arg11: memref<!tpu.dma_semaphore, #tpu.memory_space<semaphore_mem>>, %arg12: memref<!tpu.dma_semaphore, #tpu.memory_space<semaphore_mem>>) attributes {dimension_semantics = [#tpu.dimension_semantics<core_parallel>, #tpu.dimension_semantics<subcore_parallel>], iteration_bounds = array<i64: 2, 16>, scalar_prefetch = 0 : i64, scratch_operands = 8 : i64, tpu.core_type = #tpu.core_type<sc_vector_subcore>, window_params = [{transform_indices = #map}, {transform_indices = #map}, {transform_indices = #map}]} {
    %mul3A = arith.constant 2 : i32
    %mul3A_0 = arith.muli %arg1, %mul3A : i32
    %add3A = arith.addi %mul3A_0, %arg0 : i32
    %lt3A = arith.constant 2 : i32
    %lt3A_1 = arith.cmpi slt, %add3A, %lt3A : i32
    %jit3A = arith.constant 123 : i32
    %jit3A_2 = arith.constant 122 : i32
    %select_n3A = arith.select %lt3A_1, %jit3A, %jit3A_2 : i32
    %iota3A = tpu.iota {dimensions = array<i32: 0>} : vector<16xi32>
    %mul3A_3 = arith.constant 0 : i32
    %mul3A_4 = arith.constant 32 : i32
    %mul3A_5 = arith.muli %mul3A_3, %mul3A_4 : i32
    %add3A_6 = arith.addi %add3A, %mul3A_5 : i32
    %mul3A_7 = arith.constant 256 : i32
    %mul3A_8 = arith.muli %add3A_6, %mul3A_7 : i32
    %dma_start3A = arith.constant 0 : i32
    %dma_start3A_9 = tpu.memref_slice %arg2[%dma_start3A, %mul3A_8] : memref<64x1000000xf32, #tpu.memory_space<hbm>> -> memref<64x256xf32, #tpu.memory_space<hbm>>
    %dma_start3A_10 = arith.constant 0 : i32
    %dma_start3A_11 = tpu.memref_slice %arg2[%dma_start3A_10, %mul3A_8] : memref<64x1000000xf32, #tpu.memory_space<hbm>> -> memref<64x256xf32, #tpu.memory_space<hbm>>
    tpu.enqueue_dma source(%dma_start3A_11 : memref<64x256xf32, #tpu.memory_space<hbm>>) target(%arg5 : memref<64x256xf32, #tpu.memory_space<vmem>>) target_semaphore(%arg9 : memref<!tpu.dma_semaphore, #tpu.memory_space<semaphore_mem>>)
    %scan3A = arith.constant 0 : i32
    %scan3A_12 = arith.constant 0 : i32
    %scan3A_13 = arith.constant 62 : i32
    %scan3A_14 = arith.addi %scan3A_12, %scan3A_13 : i32
    %scan3A_15 = arith.constant 1 : i32
    scf.for %scan3A_28 = %scan3A_12 to %scan3A_14 step %scan3A_15  : i32 {
      %mul3A_29 = arith.constant 2 : i32
      %mul3A_30 = arith.muli %scan3A_28, %mul3A_29 : i32
      %add3A_31 = arith.constant 0 : i32
      %add3A_32 = arith.addi %mul3A_30, %add3A_31 : i32
      %lt3A_33 = arith.cmpi slt, %add3A_32, %select_n3A : i32
      %convert_element_type3A_34 = arith.extui %lt3A_33 : i1 to i32
      %cond3A_35 = arith.constant 0 : i32
      %cond3A_36 = arith.cmpi ne, %convert_element_type3A_34, %cond3A_35 : i32
      scf.if %cond3A_36 {
        %add3A_45 = arith.constant 1 : i32
        %add3A_46 = arith.addi %add3A_32, %add3A_45 : i32
        %lt3A_47 = arith.cmpi slt, %add3A_46, %select_n3A : i32
        %convert_element_type3A_48 = arith.extui %lt3A_47 : i1 to i32
        %cond3A_49 = arith.constant 0 : i32
        %cond3A_50 = arith.cmpi ne, %convert_element_type3A_48, %cond3A_49 : i32
        scf.if %cond3A_50 {
          %ge3A_67 = arith.constant 1 : i32
          %ge3A_68 = arith.cmpi sge, %add3A_32, %ge3A_67 : i32
          %convert_element_type3A_69 = arith.extui %ge3A_68 : i1 to i32
          %cond3A_70 = arith.constant 0 : i32
          %cond3A_71 = arith.cmpi ne, %convert_element_type3A_69, %cond3A_70 : i32
          scf.if %cond3A_71 {
            %dma_wait3A_83 = arith.constant 0 : i32
            %dma_wait3A_84 = arith.constant 0 : i32
            %dma_wait3A_85 = tpu.memref_slice %arg4[%dma_wait3A_83, %dma_wait3A_84] : memref<500000x128xf32, #tpu.memory_space<hbm>> -> memref<128x128xf32, #tpu.memory_space<hbm>>
            %dma_wait3A_86 = arith.constant 0 : i32
            %dma_wait3A_87 = arith.constant 0 : i32
            %dma_wait3A_88 = tpu.memref_slice %arg4[%dma_wait3A_86, %dma_wait3A_87] : memref<500000x128xf32, #tpu.memory_space<hbm>> -> memref<128x128xf32, #tpu.memory_space<hbm>>
            tpu.wait_dma2 semaphore(%arg12 : memref<!tpu.dma_semaphore, #tpu.memory_space<semaphore_mem>>) src(%dma_wait3A_88 : memref<128x128xf32, #tpu.memory_space<hbm>>) dst(%arg8 : memref<128x128xf32, #tpu.memory_space<vmem>>)
          } else {
          }
          %add3A_72 = arith.constant 1 : i32
          %add3A_73 = arith.addi %add3A_32, %add3A_72 : i32
          %mul3A_74 = arith.constant 32 : i32
          %mul3A_75 = arith.muli %add3A_73, %mul3A_74 : i32
          %add3A_76 = arith.addi %add3A, %mul3A_75 : i32
          %mul3A_77 = arith.constant 256 : i32
          %mul3A_78 = arith.muli %add3A_76, %mul3A_77 : i32
          %dma_start3A_79 = arith.constant 0 : i32
          %dma_start3A_80 = tpu.memref_slice %arg2[%dma_start3A_79, %mul3A_78] : memref<64x1000000xf32, #tpu.memory_space<hbm>> -> memref<64x256xf32, #tpu.memory_space<hbm>>
          %dma_start3A_81 = arith.constant 0 : i32
          %dma_start3A_82 = tpu.memref_slice %arg2[%dma_start3A_81, %mul3A_78] : memref<64x1000000xf32, #tpu.memory_space<hbm>> -> memref<64x256xf32, #tpu.memory_space<hbm>>
          tpu.enqueue_dma source(%dma_start3A_82 : memref<64x256xf32, #tpu.memory_space<hbm>>) target(%arg6 : memref<64x256xf32, #tpu.memory_space<vmem>>) target_semaphore(%arg10 : memref<!tpu.dma_semaphore, #tpu.memory_space<semaphore_mem>>)
        } else {
        }
        %dma_wait3A = arith.constant 0 : i32
        %dma_wait3A_51 = arith.constant 0 : i32
        %dma_wait3A_52 = tpu.memref_slice %arg2[%dma_wait3A, %dma_wait3A_51] : memref<64x1000000xf32, #tpu.memory_space<hbm>> -> memref<64x256xf32, #tpu.memory_space<hbm>>
        %dma_wait3A_53 = arith.constant 0 : i32
        %dma_wait3A_54 = arith.constant 0 : i32
        %dma_wait3A_55 = tpu.memref_slice %arg2[%dma_wait3A_53, %dma_wait3A_54] : memref<64x1000000xf32, #tpu.memory_space<hbm>> -> memref<64x256xf32, #tpu.memory_space<hbm>>
        tpu.wait_dma2 semaphore(%arg9 : memref<!tpu.dma_semaphore, #tpu.memory_space<semaphore_mem>>) src(%dma_wait3A_55 : memref<64x256xf32, #tpu.memory_space<hbm>>) dst(%arg5 : memref<64x256xf32, #tpu.memory_space<vmem>>)
        %parallel_loop3A = arith.constant 0 : i32
        %parallel_loop3A_56 = arith.constant 256 : i32
        %parallel_loop3A_57 = arith.constant 1 : i32
        scf.for %parallel_loop3A_67 = %parallel_loop3A to %parallel_loop3A_56 step %parallel_loop3A_57  : i32 {
          %parallel_loop3A_68 = vector.broadcast %parallel_loop3A_67 : i32 to vector<16xi32>
          %parallel_loop3A_69 = arith.addi %parallel_loop3A_68, %iota3A : vector<16xi32>
          %parallel_loop3A_70 = arith.constant 255 : i32
          %parallel_loop3A_71 = vector.broadcast %parallel_loop3A_70 : i32 to vector<16xi32>
          %parallel_loop3A_72 = arith.andi %parallel_loop3A_69, %parallel_loop3A_71 : vector<16xi32>
          %parallel_loop3A_73 = arith.constant 1 : i32
          %parallel_loop3A_74 = vector.broadcast %parallel_loop3A_73 : i32 to vector<16xi32>
          %parallel_loop3A_75 = arith.shrui %parallel_loop3A_72, %parallel_loop3A_74 : vector<16xi32>
          %parallel_loop3A_76 = arith.constant 1 : i32
          %parallel_loop3A_77 = vector.broadcast %parallel_loop3A_76 : i32 to vector<16xi32>
          %parallel_loop3A_78 = arith.andi %parallel_loop3A_72, %parallel_loop3A_77 : vector<16xi32>
          %parallel_loop3A_79 = arith.constant 64 : i32
          %parallel_loop3A_80 = vector.broadcast %parallel_loop3A_79 : i32 to vector<16xi32>
          %parallel_loop3A_81 = arith.muli %parallel_loop3A_78, %parallel_loop3A_80 : vector<16xi32>
          %parallel_loop3A_82 = arith.constant 0 : i32
          %parallel_loop3A_83 = vector.broadcast %parallel_loop3A_82 : i32 to vector<16xi32>
          %parallel_loop3A_84 = arith.addi %parallel_loop3A_83, %iota3A : vector<16xi32>
          %parallel_loop3A_85 = tpu.vector_load_idx %arg5[%parallel_loop3A_84, %parallel_loop3A_72] : memref<64x256xf32, #tpu.memory_space<vmem>>[vector<16xi32>, vector<16xi32>], vector<16xf32>,
          %parallel_loop3A_86 = arith.addi %parallel_loop3A_81, %parallel_loop3A_84 : vector<16xi32>
          tpu.vector_store_idx %arg7[%parallel_loop3A_75, %parallel_loop3A_86], %parallel_loop3A_85 : memref<128x128xf32, #tpu.memory_space<vmem>>[vector<16xi32>, vector<16xi32>], vector<16xf32>,
          %parallel_loop3A_87 = arith.constant 16 : i32
          %parallel_loop3A_88 = vector.broadcast %parallel_loop3A_87 : i32 to vector<16xi32>
          %parallel_loop3A_89 = arith.addi %parallel_loop3A_88, %iota3A : vector<16xi32>
          %parallel_loop3A_90 = tpu.vector_load_idx %arg5[%parallel_loop3A_89, %parallel_loop3A_72] : memref<64x256xf32, #tpu.memory_space<vmem>>[vector<16xi32>, vector<16xi32>], vector<16xf32>,
          %parallel_loop3A_91 = arith.addi %parallel_loop3A_81, %parallel_loop3A_89 : vector<16xi32>
          tpu.vector_store_idx %arg7[%parallel_loop3A_75, %parallel_loop3A_91], %parallel_loop3A_90 : memref<128x128xf32, #tpu.memory_space<vmem>>[vector<16xi32>, vector<16xi32>], vector<16xf32>,
          %parallel_loop3A_92 = arith.constant 32 : i32
          %parallel_loop3A_93 = vector.broadcast %parallel_loop3A_92 : i32 to vector<16xi32>
          %parallel_loop3A_94 = arith.addi %parallel_loop3A_93, %iota3A : vector<16xi32>
          %parallel_loop3A_95 = tpu.vector_load_idx %arg5[%parallel_loop3A_94, %parallel_loop3A_72] : memref<64x256xf32, #tpu.memory_space<vmem>>[vector<16xi32>, vector<16xi32>], vector<16xf32>,
          %parallel_loop3A_96 = arith.addi %parallel_loop3A_81, %parallel_loop3A_94 : vector<16xi32>
          tpu.vector_store_idx %arg7[%parallel_loop3A_75, %parallel_loop3A_96], %parallel_loop3A_95 : memref<128x128xf32, #tpu.memory_space<vmem>>[vector<16xi32>, vector<16xi32>], vector<16xf32>,
          %parallel_loop3A_97 = arith.constant 48 : i32
          %parallel_loop3A_98 = vector.broadcast %parallel_loop3A_97 : i32 to vector<16xi32>
          %parallel_loop3A_99 = arith.addi %parallel_loop3A_98, %iota3A : vector<16xi32>
          %parallel_loop3A_100 = tpu.vector_load_idx %arg5[%parallel_loop3A_99, %parallel_loop3A_72] : memref<64x256xf32, #tpu.memory_space<vmem>>[vector<16xi32>, vector<16xi32>], vector<16xf32>,
          %parallel_loop3A_101 = arith.addi %parallel_loop3A_81, %parallel_loop3A_99 : vector<16xi32>
          tpu.vector_store_idx %arg7[%parallel_loop3A_75, %parallel_loop3A_101], %parallel_loop3A_100 : memref<128x128xf32, #tpu.memory_space<vmem>>[vector<16xi32>, vector<16xi32>], vector<16xf32>,
        } {sc.loop_unroll_factor = 8 : i64, sc.parallel_access}
        %mul3A_58 = arith.constant 32 : i32
        %mul3A_59 = arith.muli %add3A_32, %mul3A_58 : i32
        %add3A_60 = arith.addi %add3A, %mul3A_59 : i32
        %mul3A_61 = arith.constant 128 : i32
        %mul3A_62 = arith.muli %add3A_60, %mul3A_61 : i32
        %dma_start3A_63 = arith.constant 0 : i32
        %dma_start3A_64 = tpu.memref_slice %arg4[%mul3A_62, %dma_start3A_63] : memref<500000x128xf32, #tpu.memory_space<hbm>> -> memref<128x128xf32, #tpu.memory_space<hbm>>
        %dma_start3A_65 = arith.constant 0 : i32
        %dma_start3A_66 = tpu.memref_slice %arg4[%mul3A_62, %dma_start3A_65] : memref<500000x128xf32, #tpu.memory_space<hbm>> -> memref<128x128xf32, #tpu.memory_space<hbm>>
        tpu.enqueue_dma source(%arg7 : memref<128x128xf32, #tpu.memory_space<vmem>>) target(%dma_start3A_66 : memref<128x128xf32, #tpu.memory_space<hbm>>) target_semaphore(%arg11 : memref<!tpu.dma_semaphore, #tpu.memory_space<semaphore_mem>>)
      } else {
      }
      %mul3A_37 = arith.constant 2 : i32
      %mul3A_38 = arith.muli %scan3A_28, %mul3A_37 : i32
      %add3A_39 = arith.constant 1 : i32
      %add3A_40 = arith.addi %mul3A_38, %add3A_39 : i32
      %lt3A_41 = arith.cmpi slt, %add3A_40, %select_n3A : i32
      %convert_element_type3A_42 = arith.extui %lt3A_41 : i1 to i32
      %cond3A_43 = arith.constant 0 : i32
      %cond3A_44 = arith.cmpi ne, %convert_element_type3A_42, %cond3A_43 : i32
      scf.if %cond3A_44 {
        %add3A_45 = arith.constant 1 : i32
        %add3A_46 = arith.addi %add3A_40, %add3A_45 : i32
        %lt3A_47 = arith.cmpi slt, %add3A_46, %select_n3A : i32
        %convert_element_type3A_48 = arith.extui %lt3A_47 : i1 to i32
        %cond3A_49 = arith.constant 0 : i32
        %cond3A_50 = arith.cmpi ne, %convert_element_type3A_48, %cond3A_49 : i32
        scf.if %cond3A_50 {
          %ge3A_67 = arith.constant 1 : i32
          %ge3A_68 = arith.cmpi sge, %add3A_40, %ge3A_67 : i32
          %convert_element_type3A_69 = arith.extui %ge3A_68 : i1 to i32
          %cond3A_70 = arith.constant 0 : i32
          %cond3A_71 = arith.cmpi ne, %convert_element_type3A_69, %cond3A_70 : i32
          scf.if %cond3A_71 {
            %dma_wait3A_83 = arith.constant 0 : i32
            %dma_wait3A_84 = arith.constant 0 : i32
            %dma_wait3A_85 = tpu.memref_slice %arg4[%dma_wait3A_83, %dma_wait3A_84] : memref<500000x128xf32, #tpu.memory_space<hbm>> -> memref<128x128xf32, #tpu.memory_space<hbm>>
            %dma_wait3A_86 = arith.constant 0 : i32
            %dma_wait3A_87 = arith.constant 0 : i32
            %dma_wait3A_88 = tpu.memref_slice %arg4[%dma_wait3A_86, %dma_wait3A_87] : memref<500000x128xf32, #tpu.memory_space<hbm>> -> memref<128x128xf32, #tpu.memory_space<hbm>>
            tpu.wait_dma2 semaphore(%arg11 : memref<!tpu.dma_semaphore, #tpu.memory_space<semaphore_mem>>) src(%dma_wait3A_88 : memref<128x128xf32, #tpu.memory_space<hbm>>) dst(%arg7 : memref<128x128xf32, #tpu.memory_space<vmem>>)
          } else {
          }
          %add3A_72 = arith.constant 1 : i32
          %add3A_73 = arith.addi %add3A_40, %add3A_72 : i32
          %mul3A_74 = arith.constant 32 : i32
          %mul3A_75 = arith.muli %add3A_73, %mul3A_74 : i32
          %add3A_76 = arith.addi %add3A, %mul3A_75 : i32
          %mul3A_77 = arith.constant 256 : i32
          %mul3A_78 = arith.muli %add3A_76, %mul3A_77 : i32
          %dma_start3A_79 = arith.constant 0 : i32
          %dma_start3A_80 = tpu.memref_slice %arg2[%dma_start3A_79, %mul3A_78] : memref<64x1000000xf32, #tpu.memory_space<hbm>> -> memref<64x256xf32, #tpu.memory_space<hbm>>
          %dma_start3A_81 = arith.constant 0 : i32
          %dma_start3A_82 = tpu.memref_slice %arg2[%dma_start3A_81, %mul3A_78] : memref<64x1000000xf32, #tpu.memory_space<hbm>> -> memref<64x256xf32, #tpu.memory_space<hbm>>
          tpu.enqueue_dma source(%dma_start3A_82 : memref<64x256xf32, #tpu.memory_space<hbm>>) target(%arg5 : memref<64x256xf32, #tpu.memory_space<vmem>>) target_semaphore(%arg9 : memref<!tpu.dma_semaphore, #tpu.memory_space<semaphore_mem>>)
        } else {
        }
        %dma_wait3A = arith.constant 0 : i32
        %dma_wait3A_51 = arith.constant 0 : i32
        %dma_wait3A_52 = tpu.memref_slice %arg2[%dma_wait3A, %dma_wait3A_51] : memref<64x1000000xf32, #tpu.memory_space<hbm>> -> memref<64x256xf32, #tpu.memory_space<hbm>>
        %dma_wait3A_53 = arith.constant 0 : i32
        %dma_wait3A_54 = arith.constant 0 : i32
        %dma_wait3A_55 = tpu.memref_slice %arg2[%dma_wait3A_53, %dma_wait3A_54] : memref<64x1000000xf32, #tpu.memory_space<hbm>> -> memref<64x256xf32, #tpu.memory_space<hbm>>
        tpu.wait_dma2 semaphore(%arg10 : memref<!tpu.dma_semaphore, #tpu.memory_space<semaphore_mem>>) src(%dma_wait3A_55 : memref<64x256xf32, #tpu.memory_space<hbm>>) dst(%arg6 : memref<64x256xf32, #tpu.memory_space<vmem>>)
        %parallel_loop3A = arith.constant 0 : i32
        %parallel_loop3A_56 = arith.constant 256 : i32
        %parallel_loop3A_57 = arith.constant 1 : i32
        scf.for %parallel_loop3A_67 = %parallel_loop3A to %parallel_loop3A_56 step %parallel_loop3A_57  : i32 {
          %parallel_loop3A_68 = vector.broadcast %parallel_loop3A_67 : i32 to vector<16xi32>
          %parallel_loop3A_69 = arith.addi %parallel_loop3A_68, %iota3A : vector<16xi32>
          %parallel_loop3A_70 = arith.constant 255 : i32
          %parallel_loop3A_71 = vector.broadcast %parallel_loop3A_70 : i32 to vector<16xi32>
          %parallel_loop3A_72 = arith.andi %parallel_loop3A_69, %parallel_loop3A_71 : vector<16xi32>
          %parallel_loop3A_73 = arith.constant 1 : i32
          %parallel_loop3A_74 = vector.broadcast %parallel_loop3A_73 : i32 to vector<16xi32>
          %parallel_loop3A_75 = arith.shrui %parallel_loop3A_72, %parallel_loop3A_74 : vector<16xi32>
          %parallel_loop3A_76 = arith.constant 1 : i32
          %parallel_loop3A_77 = vector.broadcast %parallel_loop3A_76 : i32 to vector<16xi32>
          %parallel_loop3A_78 = arith.andi %parallel_loop3A_72, %parallel_loop3A_77 : vector<16xi32>
          %parallel_loop3A_79 = arith.constant 64 : i32
          %parallel_loop3A_80 = vector.broadcast %parallel_loop3A_79 : i32 to vector<16xi32>
          %parallel_loop3A_81 = arith.muli %parallel_loop3A_78, %parallel_loop3A_80 : vector<16xi32>
          %parallel_loop3A_82 = arith.constant 0 : i32
          %parallel_loop3A_83 = vector.broadcast %parallel_loop3A_82 : i32 to vector<16xi32>
          %parallel_loop3A_84 = arith.addi %parallel_loop3A_83, %iota3A : vector<16xi32>
          %parallel_loop3A_85 = tpu.vector_load_idx %arg6[%parallel_loop3A_84, %parallel_loop3A_72] : memref<64x256xf32, #tpu.memory_space<vmem>>[vector<16xi32>, vector<16xi32>], vector<16xf32>,
          %parallel_loop3A_86 = arith.addi %parallel_loop3A_81, %parallel_loop3A_84 : vector<16xi32>
          tpu.vector_store_idx %arg8[%parallel_loop3A_75, %parallel_loop3A_86], %parallel_loop3A_85 : memref<128x128xf32, #tpu.memory_space<vmem>>[vector<16xi32>, vector<16xi32>], vector<16xf32>,
          %parallel_loop3A_87 = arith.constant 16 : i32
          %parallel_loop3A_88 = vector.broadcast %parallel_loop3A_87 : i32 to vector<16xi32>
          %parallel_loop3A_89 = arith.addi %parallel_loop3A_88, %iota3A : vector<16xi32>
          %parallel_loop3A_90 = tpu.vector_load_idx %arg6[%parallel_loop3A_89, %parallel_loop3A_72] : memref<64x256xf32, #tpu.memory_space<vmem>>[vector<16xi32>, vector<16xi32>], vector<16xf32>,
          %parallel_loop3A_91 = arith.addi %parallel_loop3A_81, %parallel_loop3A_89 : vector<16xi32>
          tpu.vector_store_idx %arg8[%parallel_loop3A_75, %parallel_loop3A_91], %parallel_loop3A_90 : memref<128x128xf32, #tpu.memory_space<vmem>>[vector<16xi32>, vector<16xi32>], vector<16xf32>,
          %parallel_loop3A_92 = arith.constant 32 : i32
          %parallel_loop3A_93 = vector.broadcast %parallel_loop3A_92 : i32 to vector<16xi32>
          %parallel_loop3A_94 = arith.addi %parallel_loop3A_93, %iota3A : vector<16xi32>
          %parallel_loop3A_95 = tpu.vector_load_idx %arg6[%parallel_loop3A_94, %parallel_loop3A_72] : memref<64x256xf32, #tpu.memory_space<vmem>>[vector<16xi32>, vector<16xi32>], vector<16xf32>,
          %parallel_loop3A_96 = arith.addi %parallel_loop3A_81, %parallel_loop3A_94 : vector<16xi32>
          tpu.vector_store_idx %arg8[%parallel_loop3A_75, %parallel_loop3A_96], %parallel_loop3A_95 : memref<128x128xf32, #tpu.memory_space<vmem>>[vector<16xi32>, vector<16xi32>], vector<16xf32>,
          %parallel_loop3A_97 = arith.constant 48 : i32
          %parallel_loop3A_98 = vector.broadcast %parallel_loop3A_97 : i32 to vector<16xi32>
          %parallel_loop3A_99 = arith.addi %parallel_loop3A_98, %iota3A : vector<16xi32>
          %parallel_loop3A_100 = tpu.vector_load_idx %arg6[%parallel_loop3A_99, %parallel_loop3A_72] : memref<64x256xf32, #tpu.memory_space<vmem>>[vector<16xi32>, vector<16xi32>], vector<16xf32>,
          %parallel_loop3A_101 = arith.addi %parallel_loop3A_81, %parallel_loop3A_99 : vector<16xi32>
          tpu.vector_store_idx %arg8[%parallel_loop3A_75, %parallel_loop3A_101], %parallel_loop3A_100 : memref<128x128xf32, #tpu.memory_space<vmem>>[vector<16xi32>, vector<16xi32>], vector<16xf32>,
        } {sc.loop_unroll_factor = 8 : i64, sc.parallel_access}
        %mul3A_58 = arith.constant 32 : i32
        %mul3A_59 = arith.muli %add3A_40, %mul3A_58 : i32
        %add3A_60 = arith.addi %add3A, %mul3A_59 : i32
        %mul3A_61 = arith.constant 128 : i32
        %mul3A_62 = arith.muli %add3A_60, %mul3A_61 : i32
        %dma_start3A_63 = arith.constant 0 : i32
        %dma_start3A_64 = tpu.memref_slice %arg4[%mul3A_62, %dma_start3A_63] : memref<500000x128xf32, #tpu.memory_space<hbm>> -> memref<128x128xf32, #tpu.memory_space<hbm>>
        %dma_start3A_65 = arith.constant 0 : i32
        %dma_start3A_66 = tpu.memref_slice %arg4[%mul3A_62, %dma_start3A_65] : memref<500000x128xf32, #tpu.memory_space<hbm>> -> memref<128x128xf32, #tpu.memory_space<hbm>>
        tpu.enqueue_dma source(%arg8 : memref<128x128xf32, #tpu.memory_space<vmem>>) target(%dma_start3A_66 : memref<128x128xf32, #tpu.memory_space<hbm>>) target_semaphore(%arg12 : memref<!tpu.dma_semaphore, #tpu.memory_space<semaphore_mem>>)
      } else {
      }
    }
    %scan3A_16 = arith.constant 62 : i32
    %ge3A = arith.constant 1 : i32
    %ge3A_17 = arith.cmpi sge, %select_n3A, %ge3A : i32
    %convert_element_type3A = arith.extui %ge3A_17 : i1 to i32
    %cond3A = arith.constant 0 : i32
    %cond3A_18 = arith.cmpi ne, %convert_element_type3A, %cond3A : i32
    scf.if %cond3A_18 {
      %jit3A_28 = arith.constant 2 : i32
      %eq3A_29 = arith.constant 0 : i32
      %eq3A_30 = arith.cmpi eq, %jit3A_28, %eq3A_29 : i32
      %jit3A_31 = arith.constant 1 : i32
      %select_n3A_32 = arith.select %eq3A_30, %jit3A_31, %jit3A_28 : i32
      %rem3A = arith.remsi %select_n3A, %select_n3A_32 : i32
      %ne3A = arith.constant 0 : i32
      %ne3A_33 = arith.cmpi ne, %rem3A, %ne3A : i32
      %lt3A_34 = arith.constant 0 : i32
      %lt3A_35 = arith.cmpi slt, %rem3A, %lt3A_34 : i32
      %lt3A_36 = arith.constant 0 : i32
      %lt3A_37 = arith.cmpi slt, %select_n3A_32, %lt3A_36 : i32
      %ne3A_38 = arith.xori %lt3A_35, %lt3A_37 : i1
      %and3A = arith.andi %ne3A_38, %ne3A_33 : i1
      %add3A_39 = arith.addi %rem3A, %select_n3A_32 : i32
      %select_n3A_40 = arith.select %and3A, %add3A_39, %rem3A : i32
      %eq3A_41 = arith.constant 1 : i32
      %eq3A_42 = arith.cmpi eq, %select_n3A_40, %eq3A_41 : i32
      %convert_element_type3A_43 = arith.extui %eq3A_42 : i1 to i32
      %cond3A_44 = arith.constant 0 : i32
      %cond3A_45 = arith.cmpi ne, %convert_element_type3A_43, %cond3A_44 : i32
      scf.if %cond3A_45 {
        %dma_wait3A = arith.constant 0 : i32
        %dma_wait3A_67 = arith.constant 0 : i32
        %dma_wait3A_68 = tpu.memref_slice %arg4[%dma_wait3A, %dma_wait3A_67] : memref<500000x128xf32, #tpu.memory_space<hbm>> -> memref<128x128xf32, #tpu.memory_space<hbm>>
        %dma_wait3A_69 = arith.constant 0 : i32
        %dma_wait3A_70 = arith.constant 0 : i32
        %dma_wait3A_71 = tpu.memref_slice %arg4[%dma_wait3A_69, %dma_wait3A_70] : memref<500000x128xf32, #tpu.memory_space<hbm>> -> memref<128x128xf32, #tpu.memory_space<hbm>>
        tpu.wait_dma2 semaphore(%arg11 : memref<!tpu.dma_semaphore, #tpu.memory_space<semaphore_mem>>) src(%dma_wait3A_71 : memref<128x128xf32, #tpu.memory_space<hbm>>) dst(%arg7 : memref<128x128xf32, #tpu.memory_space<vmem>>)
      } else {
      }
      %jit3A_46 = arith.constant 2 : i32
      %eq3A_47 = arith.constant 0 : i32
      %eq3A_48 = arith.cmpi eq, %jit3A_46, %eq3A_47 : i32
      %jit3A_49 = arith.constant 1 : i32
      %select_n3A_50 = arith.select %eq3A_48, %jit3A_49, %jit3A_46 : i32
      %rem3A_51 = arith.remsi %select_n3A, %select_n3A_50 : i32
      %ne3A_52 = arith.constant 0 : i32
      %ne3A_53 = arith.cmpi ne, %rem3A_51, %ne3A_52 : i32
      %lt3A_54 = arith.constant 0 : i32
      %lt3A_55 = arith.cmpi slt, %rem3A_51, %lt3A_54 : i32
      %lt3A_56 = arith.constant 0 : i32
      %lt3A_57 = arith.cmpi slt, %select_n3A_50, %lt3A_56 : i32
      %ne3A_58 = arith.xori %lt3A_55, %lt3A_57 : i1
      %and3A_59 = arith.andi %ne3A_58, %ne3A_53 : i1
      %add3A_60 = arith.addi %rem3A_51, %select_n3A_50 : i32
      %select_n3A_61 = arith.select %and3A_59, %add3A_60, %rem3A_51 : i32
      %eq3A_62 = arith.constant 0 : i32
      %eq3A_63 = arith.cmpi eq, %select_n3A_61, %eq3A_62 : i32
      %convert_element_type3A_64 = arith.extui %eq3A_63 : i1 to i32
      %cond3A_65 = arith.constant 0 : i32
      %cond3A_66 = arith.cmpi ne, %convert_element_type3A_64, %cond3A_65 : i32
      scf.if %cond3A_66 {
        %dma_wait3A = arith.constant 0 : i32
        %dma_wait3A_67 = arith.constant 0 : i32
        %dma_wait3A_68 = tpu.memref_slice %arg4[%dma_wait3A, %dma_wait3A_67] : memref<500000x128xf32, #tpu.memory_space<hbm>> -> memref<128x128xf32, #tpu.memory_space<hbm>>
        %dma_wait3A_69 = arith.constant 0 : i32
        %dma_wait3A_70 = arith.constant 0 : i32
        %dma_wait3A_71 = tpu.memref_slice %arg4[%dma_wait3A_69, %dma_wait3A_70] : memref<500000x128xf32, #tpu.memory_space<hbm>> -> memref<128x128xf32, #tpu.memory_space<hbm>>
        tpu.wait_dma2 semaphore(%arg12 : memref<!tpu.dma_semaphore, #tpu.memory_space<semaphore_mem>>) src(%dma_wait3A_71 : memref<128x128xf32, #tpu.memory_space<hbm>>) dst(%arg8 : memref<128x128xf32, #tpu.memory_space<vmem>>)
      } else {
      }
    } else {
    }
    %ge3A_19 = arith.constant 2 : i32
    %ge3A_20 = arith.cmpi sge, %select_n3A, %ge3A_19 : i32
    %convert_element_type3A_21 = arith.extui %ge3A_20 : i1 to i32
    %cond3A_22 = arith.constant 0 : i32
    %cond3A_23 = arith.cmpi ne, %convert_element_type3A_21, %cond3A_22 : i32
    scf.if %cond3A_23 {
      %jit3A_28 = arith.constant 2 : i32
      %eq3A_29 = arith.constant 0 : i32
      %eq3A_30 = arith.cmpi eq, %jit3A_28, %eq3A_29 : i32
      %jit3A_31 = arith.constant 1 : i32
      %select_n3A_32 = arith.select %eq3A_30, %jit3A_31, %jit3A_28 : i32
      %rem3A = arith.remsi %select_n3A, %select_n3A_32 : i32
      %ne3A = arith.constant 0 : i32
      %ne3A_33 = arith.cmpi ne, %rem3A, %ne3A : i32
      %lt3A_34 = arith.constant 0 : i32
      %lt3A_35 = arith.cmpi slt, %rem3A, %lt3A_34 : i32
      %lt3A_36 = arith.constant 0 : i32
      %lt3A_37 = arith.cmpi slt, %select_n3A_32, %lt3A_36 : i32
      %ne3A_38 = arith.xori %lt3A_35, %lt3A_37 : i1
      %and3A = arith.andi %ne3A_38, %ne3A_33 : i1
      %add3A_39 = arith.addi %rem3A, %select_n3A_32 : i32
      %select_n3A_40 = arith.select %and3A, %add3A_39, %rem3A : i32
      %eq3A_41 = arith.constant 1 : i32
      %eq3A_42 = arith.cmpi eq, %select_n3A_40, %eq3A_41 : i32
      %convert_element_type3A_43 = arith.extui %eq3A_42 : i1 to i32
      %cond3A_44 = arith.constant 0 : i32
      %cond3A_45 = arith.cmpi ne, %convert_element_type3A_43, %cond3A_44 : i32
      scf.if %cond3A_45 {
        %dma_wait3A = arith.constant 0 : i32
        %dma_wait3A_67 = arith.constant 0 : i32
        %dma_wait3A_68 = tpu.memref_slice %arg4[%dma_wait3A, %dma_wait3A_67] : memref<500000x128xf32, #tpu.memory_space<hbm>> -> memref<128x128xf32, #tpu.memory_space<hbm>>
        %dma_wait3A_69 = arith.constant 0 : i32
        %dma_wait3A_70 = arith.constant 0 : i32
        %dma_wait3A_71 = tpu.memref_slice %arg4[%dma_wait3A_69, %dma_wait3A_70] : memref<500000x128xf32, #tpu.memory_space<hbm>> -> memref<128x128xf32, #tpu.memory_space<hbm>>
        tpu.wait_dma2 semaphore(%arg12 : memref<!tpu.dma_semaphore, #tpu.memory_space<semaphore_mem>>) src(%dma_wait3A_71 : memref<128x128xf32, #tpu.memory_space<hbm>>) dst(%arg8 : memref<128x128xf32, #tpu.memory_space<vmem>>)
      } else {
      }
      %jit3A_46 = arith.constant 2 : i32
      %eq3A_47 = arith.constant 0 : i32
      %eq3A_48 = arith.cmpi eq, %jit3A_46, %eq3A_47 : i32
      %jit3A_49 = arith.constant 1 : i32
      %select_n3A_50 = arith.select %eq3A_48, %jit3A_49, %jit3A_46 : i32
      %rem3A_51 = arith.remsi %select_n3A, %select_n3A_50 : i32
      %ne3A_52 = arith.constant 0 : i32
      %ne3A_53 = arith.cmpi ne, %rem3A_51, %ne3A_52 : i32
      %lt3A_54 = arith.constant 0 : i32
      %lt3A_55 = arith.cmpi slt, %rem3A_51, %lt3A_54 : i32
      %lt3A_56 = arith.constant 0 : i32
      %lt3A_57 = arith.cmpi slt, %select_n3A_50, %lt3A_56 : i32
      %ne3A_58 = arith.xori %lt3A_55, %lt3A_57 : i1
      %and3A_59 = arith.andi %ne3A_58, %ne3A_53 : i1
      %add3A_60 = arith.addi %rem3A_51, %select_n3A_50 : i32
      %select_n3A_61 = arith.select %and3A_59, %add3A_60, %rem3A_51 : i32
      %eq3A_62 = arith.constant 0 : i32
      %eq3A_63 = arith.cmpi eq, %select_n3A_61, %eq3A_62 : i32
      %convert_element_type3A_64 = arith.extui %eq3A_63 : i1 to i32
      %cond3A_65 = arith.constant 0 : i32
      %cond3A_66 = arith.cmpi ne, %convert_element_type3A_64, %cond3A_65 : i32
      scf.if %cond3A_66 {
        %dma_wait3A = arith.constant 0 : i32
        %dma_wait3A_67 = arith.constant 0 : i32
        %dma_wait3A_68 = tpu.memref_slice %arg4[%dma_wait3A, %dma_wait3A_67] : memref<500000x128xf32, #tpu.memory_space<hbm>> -> memref<128x128xf32, #tpu.memory_space<hbm>>
        %dma_wait3A_69 = arith.constant 0 : i32
        %dma_wait3A_70 = arith.constant 0 : i32
        %dma_wait3A_71 = tpu.memref_slice %arg4[%dma_wait3A_69, %dma_wait3A_70] : memref<500000x128xf32, #tpu.memory_space<hbm>> -> memref<128x128xf32, #tpu.memory_space<hbm>>
        tpu.wait_dma2 semaphore(%arg11 : memref<!tpu.dma_semaphore, #tpu.memory_space<semaphore_mem>>) src(%dma_wait3A_71 : memref<128x128xf32, #tpu.memory_space<hbm>>) dst(%arg7 : memref<128x128xf32, #tpu.memory_space<vmem>>)
      } else {
      }
    } else {
    }
    %eq3A = arith.constant 31 : i32
    %eq3A_24 = arith.cmpi eq, %add3A, %eq3A : i32
    %convert_element_type3A_25 = arith.extui %eq3A_24 : i1 to i32
    %cond3A_26 = arith.constant 0 : i32
    %cond3A_27 = arith.cmpi ne, %convert_element_type3A_25, %cond3A_26 : i32
    scf.if %cond3A_27 {
      "tpu.region"() ({
        %run_scoped3A = tpu.sem_alloc : memref<!tpu.dma_semaphore, #tpu.memory_space<semaphore_mem>>
        %dma_start3A_51 = arith.constant 0 : i32
        %dma_start3A_52 = arith.constant 0 : i32
        %dma_start3A_53 = tpu.memref_slice %arg7[%dma_start3A_51, %dma_start3A_52] : memref<128x128xf32, #tpu.memory_space<vmem>> -> memref<32x128xf32, #tpu.memory_space<vmem>>
        %dma_start3A_54 = arith.constant 0 : i32
        %dma_start3A_55 = arith.constant 0 : i32
        %dma_start3A_56 = tpu.memref_slice %arg7[%dma_start3A_54, %dma_start3A_55] : memref<128x128xf32, #tpu.memory_space<vmem>> -> memref<32x128xf32, #tpu.memory_space<vmem>>
        tpu.enqueue_dma source(%arg3 : memref<32x128xf32, #tpu.memory_space<hbm>>) target(%dma_start3A_56 : memref<32x128xf32, #tpu.memory_space<vmem>>) target_semaphore(%run_scoped3A : memref<!tpu.dma_semaphore, #tpu.memory_space<semaphore_mem>>)
        %dma_wait3A_57 = arith.constant 0 : i32
        %dma_wait3A_58 = arith.constant 0 : i32
        %dma_wait3A_59 = tpu.memref_slice %arg7[%dma_wait3A_57, %dma_wait3A_58] : memref<128x128xf32, #tpu.memory_space<vmem>> -> memref<32x128xf32, #tpu.memory_space<vmem>>
        %dma_wait3A_60 = arith.constant 0 : i32
        %dma_wait3A_61 = arith.constant 0 : i32
        %dma_wait3A_62 = tpu.memref_slice %arg7[%dma_wait3A_60, %dma_wait3A_61] : memref<128x128xf32, #tpu.memory_space<vmem>> -> memref<32x128xf32, #tpu.memory_space<vmem>>
        tpu.wait_dma2 semaphore(%run_scoped3A : memref<!tpu.dma_semaphore, #tpu.memory_space<semaphore_mem>>) src(%arg3 : memref<32x128xf32, #tpu.memory_space<hbm>>) dst(%dma_wait3A_62 : memref<32x128xf32, #tpu.memory_space<vmem>>)
        tpu.yield
      }) : () -> ()
      %dma_start3A_28 = arith.constant 0 : i32
      %dma_start3A_29 = arith.constant 0 : i32
      %dma_start3A_30 = tpu.memref_slice %arg7[%dma_start3A_28, %dma_start3A_29] : memref<128x128xf32, #tpu.memory_space<vmem>> -> memref<32x128xf32, #tpu.memory_space<vmem>>
      %dma_start3A_31 = arith.constant 499968 : i32
      %dma_start3A_32 = arith.constant 0 : i32
      %dma_start3A_33 = tpu.memref_slice %arg4[%dma_start3A_31, %dma_start3A_32] : memref<500000x128xf32, #tpu.memory_space<hbm>> -> memref<32x128xf32, #tpu.memory_space<hbm>>
      %dma_start3A_34 = arith.constant 499968 : i32
      %dma_start3A_35 = arith.constant 0 : i32
      %dma_start3A_36 = tpu.memref_slice %arg4[%dma_start3A_34, %dma_start3A_35] : memref<500000x128xf32, #tpu.memory_space<hbm>> -> memref<32x128xf32, #tpu.memory_space<hbm>>
      %dma_start3A_37 = arith.constant 0 : i32
      %dma_start3A_38 = arith.constant 0 : i32
      %dma_start3A_39 = tpu.memref_slice %arg7[%dma_start3A_37, %dma_start3A_38] : memref<128x128xf32, #tpu.memory_space<vmem>> -> memref<32x128xf32, #tpu.memory_space<vmem>>
      tpu.enqueue_dma source(%dma_start3A_39 : memref<32x128xf32, #tpu.memory_space<vmem>>) target(%dma_start3A_36 : memref<32x128xf32, #tpu.memory_space<hbm>>) target_semaphore(%arg11 : memref<!tpu.dma_semaphore, #tpu.memory_space<semaphore_mem>>)
      %dma_wait3A = arith.constant 0 : i32
      %dma_wait3A_40 = arith.constant 0 : i32
      %dma_wait3A_41 = tpu.memref_slice %arg7[%dma_wait3A, %dma_wait3A_40] : memref<128x128xf32, #tpu.memory_space<vmem>> -> memref<32x128xf32, #tpu.memory_space<vmem>>
      %dma_wait3A_42 = arith.constant 499968 : i32
      %dma_wait3A_43 = arith.constant 0 : i32
      %dma_wait3A_44 = tpu.memref_slice %arg4[%dma_wait3A_42, %dma_wait3A_43] : memref<500000x128xf32, #tpu.memory_space<hbm>> -> memref<32x128xf32, #tpu.memory_space<hbm>>
      %dma_wait3A_45 = arith.constant 499968 : i32
      %dma_wait3A_46 = arith.constant 0 : i32
      %dma_wait3A_47 = tpu.memref_slice %arg4[%dma_wait3A_45, %dma_wait3A_46] : memref<500000x128xf32, #tpu.memory_space<hbm>> -> memref<32x128xf32, #tpu.memory_space<hbm>>
      %dma_wait3A_48 = arith.constant 0 : i32
      %dma_wait3A_49 = arith.constant 0 : i32
      %dma_wait3A_50 = tpu.memref_slice %arg7[%dma_wait3A_48, %dma_wait3A_49] : memref<128x128xf32, #tpu.memory_space<vmem>> -> memref<32x128xf32, #tpu.memory_space<vmem>>
      tpu.wait_dma2 semaphore(%arg11 : memref<!tpu.dma_semaphore, #tpu.memory_space<semaphore_mem>>) src(%dma_wait3A_50 : memref<32x128xf32, #tpu.memory_space<vmem>>) dst(%dma_wait3A_47 : memref<32x128xf32, #tpu.memory_space<hbm>>)
    } else {
    }
    return
  }
}

#map = affine_map<(d0, d1) -> (0, 0)>
#map1 = affine_map<(d0, d1) -> (0)>
#map2 = affine_map<(d0, d1) -> (0, 0, 0)>
module attributes {stable_mosaic.version = 14 : i64} {
  func.func @_gather_body(%arg0: i32, %arg1: i32, %arg2: memref<500000x128xf32, #tpu.memory_space<hbm>>, %arg3: memref<200x1024xi32, #tpu.memory_space<hbm>>, %arg4: memref<12800xf32, #tpu.memory_space<hbm>>, %arg5: memref<200x64x1024xf32, #tpu.memory_space<hbm>>, %arg6: memref<1024xi32, #tpu.memory_space<vmem>>, %arg7: memref<1024xi32, #tpu.memory_space<vmem>>, %arg8: memref<12800xf32, #tpu.memory_space<vmem>>, %arg9: memref<64x16xf32, #tpu.memory_space<vmem>>, %arg10: memref<64x1024xf32, #tpu.memory_space<vmem>>, %arg11: memref<128x128xf32, #tpu.memory_space<vmem>>, %arg12: memref<128x128xf32, #tpu.memory_space<vmem>>, %arg13: memref<!tpu.dma_semaphore, #tpu.memory_space<semaphore_mem>>, %arg14: memref<!tpu.dma_semaphore, #tpu.memory_space<semaphore_mem>>, %arg15: memref<!tpu.dma_semaphore, #tpu.memory_space<semaphore_mem>>) attributes {dimension_semantics = [#tpu.dimension_semantics<core_parallel>, #tpu.dimension_semantics<subcore_parallel>], iteration_bounds = array<i64: 2, 16>, scalar_prefetch = 0 : i64, scratch_operands = 10 : i64, tpu.core_type = #tpu.core_type<sc_vector_subcore>, window_params = [{transform_indices = #map}, {transform_indices = #map}, {transform_indices = #map1}, {transform_indices = #map2}]} {
    %mul3A = arith.constant 2 : i32
    %mul3A_0 = arith.muli %arg1, %mul3A : i32
    %add3A = arith.addi %mul3A_0, %arg0 : i32
    %lt3A = arith.constant 8 : i32
    %lt3A_1 = arith.cmpi slt, %add3A, %lt3A : i32
    %jit3A = arith.constant 7 : i32
    %jit3A_2 = arith.constant 6 : i32
    %select_n3A = arith.select %lt3A_1, %jit3A, %jit3A_2 : i32
    %iota3A = tpu.iota {dimensions = array<i32: 0>} : vector<16xi32>
    "tpu.region"() ({
      %run_scoped3A = tpu.sem_alloc : memref<!tpu.dma_semaphore, #tpu.memory_space<semaphore_mem>>
      tpu.enqueue_dma source(%arg4 : memref<12800xf32, #tpu.memory_space<hbm>>) target(%arg8 : memref<12800xf32, #tpu.memory_space<vmem>>) target_semaphore(%run_scoped3A : memref<!tpu.dma_semaphore, #tpu.memory_space<semaphore_mem>>)
      tpu.wait_dma2 semaphore(%run_scoped3A : memref<!tpu.dma_semaphore, #tpu.memory_space<semaphore_mem>>) src(%arg4 : memref<12800xf32, #tpu.memory_space<hbm>>) dst(%arg8 : memref<12800xf32, #tpu.memory_space<vmem>>)
      tpu.yield
    }) : () -> ()
    %while3A = arith.constant 0 : i32
    %while3A_3 = arith.constant 0 : i32
    %while3A_4 = arith.subi %select_n3A, %while3A_3 : i32
    %while3A_5 = arith.addi %while3A_3, %while3A_4 : i32
    %while3A_6 = arith.constant 1 : i32
    %while3A_7 = arith.divsi %while3A_4, %while3A_6 : i32
    %while3A_8 = arith.muli %while3A_7, %while3A_6 : i32
    %while3A_9 = arith.addi %while3A_3, %while3A_8 : i32
    %while3A_10 = arith.constant 1 : i32
    scf.for %while3A_12 = %while3A_3 to %while3A_9 step %while3A_10  : i32 {
      %mul3A_13 = arith.constant 32 : i32
      %mul3A_14 = arith.muli %while3A_12, %mul3A_13 : i32
      %add3A_15 = arith.addi %add3A, %mul3A_14 : i32
      "tpu.region"() ({
        %run_scoped3A = tpu.sem_alloc : memref<!tpu.dma_semaphore, #tpu.memory_space<semaphore_mem>>
        %dma_start3A_49 = arith.constant 0 : i32
        %dma_start3A_50 = tpu.memref_slice %arg3[%add3A_15, %dma_start3A_49] : memref<200x1024xi32, #tpu.memory_space<hbm>> -> memref<1x1024xi32, #tpu.memory_space<hbm>>
        %dma_start3A_51 = tpu.memref_squeeze %dma_start3A_50 : memref<1x1024xi32, #tpu.memory_space<hbm>> -> memref<1024xi32, #tpu.memory_space<hbm>>
        %dma_start3A_52 = arith.constant 0 : i32
        %dma_start3A_53 = tpu.memref_slice %arg3[%add3A_15, %dma_start3A_52] : memref<200x1024xi32, #tpu.memory_space<hbm>> -> memref<1x1024xi32, #tpu.memory_space<hbm>>
        %dma_start3A_54 = tpu.memref_squeeze %dma_start3A_53 : memref<1x1024xi32, #tpu.memory_space<hbm>> -> memref<1024xi32, #tpu.memory_space<hbm>>
        tpu.enqueue_dma source(%dma_start3A_54 : memref<1024xi32, #tpu.memory_space<hbm>>) target(%arg6 : memref<1024xi32, #tpu.memory_space<vmem>>) target_semaphore(%run_scoped3A : memref<!tpu.dma_semaphore, #tpu.memory_space<semaphore_mem>>)
        %dma_wait3A_55 = arith.constant 0 : i32
        %dma_wait3A_56 = tpu.memref_slice %arg3[%add3A_15, %dma_wait3A_55] : memref<200x1024xi32, #tpu.memory_space<hbm>> -> memref<1x1024xi32, #tpu.memory_space<hbm>>
        %dma_wait3A_57 = tpu.memref_squeeze %dma_wait3A_56 : memref<1x1024xi32, #tpu.memory_space<hbm>> -> memref<1024xi32, #tpu.memory_space<hbm>>
        %dma_wait3A_58 = arith.constant 0 : i32
        %dma_wait3A_59 = tpu.memref_slice %arg3[%add3A_15, %dma_wait3A_58] : memref<200x1024xi32, #tpu.memory_space<hbm>> -> memref<1x1024xi32, #tpu.memory_space<hbm>>
        %dma_wait3A_60 = tpu.memref_squeeze %dma_wait3A_59 : memref<1x1024xi32, #tpu.memory_space<hbm>> -> memref<1024xi32, #tpu.memory_space<hbm>>
        tpu.wait_dma2 semaphore(%run_scoped3A : memref<!tpu.dma_semaphore, #tpu.memory_space<semaphore_mem>>) src(%dma_wait3A_60 : memref<1024xi32, #tpu.memory_space<hbm>>) dst(%arg6 : memref<1024xi32, #tpu.memory_space<vmem>>)
        tpu.yield
      }) : () -> ()
      %parallel_loop3A = arith.constant 0 : i32
      %parallel_loop3A_16 = arith.constant 64 : i32
      %parallel_loop3A_17 = arith.constant 1 : i32
      scf.for %parallel_loop3A_49 = %parallel_loop3A to %parallel_loop3A_16 step %parallel_loop3A_17  : i32 {
        %parallel_loop3A_50 = arith.constant 16 : i32
        %parallel_loop3A_51 = arith.muli %parallel_loop3A_49, %parallel_loop3A_50 : i32
        %parallel_loop3A_52 = arith.index_cast %parallel_loop3A_51 : i32 to index
        %parallel_loop3A_53 = tpu.vector_load %arg6[%parallel_loop3A_52] {strides = array<i32>} : memref<1024xi32, #tpu.memory_space<vmem>>, vector<16xi32>,
        %parallel_loop3A_54 = arith.constant 1 : i32
        %parallel_loop3A_55 = vector.broadcast %parallel_loop3A_54 : i32 to vector<16xi32>
        %parallel_loop3A_56 = arith.shrui %parallel_loop3A_53, %parallel_loop3A_55 : vector<16xi32>
        %parallel_loop3A_57 = arith.index_cast %parallel_loop3A_51 : i32 to index
        %parallel_loop3A_58 = tpu.vector_load %arg7[%parallel_loop3A_57] {strides = array<i32>} : memref<1024xi32, #tpu.memory_space<vmem>>, vector<16xi32>,
        tpu.vector_store %arg7[%parallel_loop3A_57], %parallel_loop3A_56 {strides = array<i32>} : memref<1024xi32, #tpu.memory_space<vmem>>, vector<16xi32>,
      } {sc.loop_unroll_factor = 4 : i64, sc.parallel_access}
      %mul3A_18 = arith.constant 0 : i32
      %mul3A_19 = arith.constant 128 : i32
      %mul3A_20 = arith.muli %mul3A_18, %mul3A_19 : i32
      %dma_start3A = tpu.memref_slice %arg7[%mul3A_20] : memref<1024xi32, #tpu.memory_space<vmem>> -> memref<128xi32, #tpu.memory_space<vmem>>
      %dma_start3A_21 = arith.constant 0 : i32
      %dma_start3A_22 = arith.constant 0 : i32
      %dma_start3A_23 = tpu.memref_slice %arg2[%dma_start3A_21, %dma_start3A_22] : memref<500000x128xf32, #tpu.memory_space<hbm>> -> memref<500000x128xf32, #tpu.memory_space<hbm>>
      tpu.enqueue_indirect_dma source(%dma_start3A_23 : memref<500000x128xf32, #tpu.memory_space<hbm>>) target(%arg11 : memref<128x128xf32, #tpu.memory_space<vmem>>) offsets(%dma_start3A : memref<128xi32, #tpu.memory_space<vmem>>) semaphore(%arg13 : memref<!tpu.dma_semaphore, #tpu.memory_space<semaphore_mem>>)
      %mul3A_24 = arith.constant 64 : i32
      %mul3A_25 = arith.muli %add3A_15, %mul3A_24 : i32
      %parallel_loop3A_26 = arith.constant 0 : i32
      %parallel_loop3A_27 = arith.constant 64 : i32
      %parallel_loop3A_28 = arith.constant 1 : i32
      scf.for %parallel_loop3A_49 = %parallel_loop3A_26 to %parallel_loop3A_27 step %parallel_loop3A_28  : i32 {
        %parallel_loop3A_50 = vector.broadcast %parallel_loop3A_49 : i32 to vector<16xi32>
        %parallel_loop3A_51 = arith.addi %parallel_loop3A_50, %iota3A : vector<16xi32>
        %parallel_loop3A_52 = arith.constant 63 : i32
        %parallel_loop3A_53 = vector.broadcast %parallel_loop3A_52 : i32 to vector<16xi32>
        %parallel_loop3A_54 = arith.andi %parallel_loop3A_51, %parallel_loop3A_53 : vector<16xi32>
        %parallel_loop3A_55 = vector.broadcast %mul3A_25 : i32 to vector<16xi32>
        %parallel_loop3A_56 = arith.addi %parallel_loop3A_55, %parallel_loop3A_54 : vector<16xi32>
        %parallel_loop3A_57 = tpu.vector_load_idx %arg8[%parallel_loop3A_56] : memref<12800xf32, #tpu.memory_space<vmem>>[vector<16xi32>], vector<16xf32>,
        %parallel_loop3A_58 = arith.index_cast %parallel_loop3A_49 : i32 to index
        %parallel_loop3A_59 = arith.constant 0 : index
        %parallel_loop3A_60 = tpu.vector_load %arg9[%parallel_loop3A_58, %parallel_loop3A_59] {strides = array<i32>} : memref<64x16xf32, #tpu.memory_space<vmem>>, vector<16xf32>,
        tpu.vector_store %arg9[%parallel_loop3A_58, %parallel_loop3A_59], %parallel_loop3A_57 {strides = array<i32>} : memref<64x16xf32, #tpu.memory_space<vmem>>, vector<16xf32>,
      } {sc.loop_unroll_factor = 4 : i64, sc.parallel_access}
      %scan3A = arith.constant 0 : i32
      %scan3A_29 = arith.constant 0 : i32
      %scan3A_30 = arith.constant 4 : i32
      %scan3A_31 = arith.addi %scan3A_29, %scan3A_30 : i32
      %scan3A_32 = arith.constant 1 : i32
      scf.for %scan3A_49 = %scan3A_29 to %scan3A_31 step %scan3A_32  : i32 {
        %mul3A_50 = arith.constant 2 : i32
        %mul3A_51 = arith.muli %scan3A_49, %mul3A_50 : i32
        %add3A_52 = arith.constant 0 : i32
        %add3A_53 = arith.addi %mul3A_51, %add3A_52 : i32
        %lt3A_54 = arith.constant 8 : i32
        %lt3A_55 = arith.cmpi slt, %add3A_53, %lt3A_54 : i32
        %convert_element_type3A = arith.extui %lt3A_55 : i1 to i32
        %cond3A = arith.constant 0 : i32
        %cond3A_56 = arith.cmpi ne, %convert_element_type3A, %cond3A : i32
        scf.if %cond3A_56 {
          %add3A_66 = arith.constant 1 : i32
          %add3A_67 = arith.addi %add3A_53, %add3A_66 : i32
          %lt3A_68 = arith.constant 8 : i32
          %lt3A_69 = arith.cmpi slt, %add3A_67, %lt3A_68 : i32
          %convert_element_type3A_70 = arith.extui %lt3A_69 : i1 to i32
          %cond3A_71 = arith.constant 0 : i32
          %cond3A_72 = arith.cmpi ne, %convert_element_type3A_70, %cond3A_71 : i32
          scf.if %cond3A_72 {
            %add3A_86 = arith.constant 1 : i32
            %add3A_87 = arith.addi %add3A_53, %add3A_86 : i32
            %mul3A_88 = arith.constant 128 : i32
            %mul3A_89 = arith.muli %add3A_87, %mul3A_88 : i32
            %dma_start3A_90 = tpu.memref_slice %arg7[%mul3A_89] : memref<1024xi32, #tpu.memory_space<vmem>> -> memref<128xi32, #tpu.memory_space<vmem>>
            %dma_start3A_91 = arith.constant 0 : i32
            %dma_start3A_92 = arith.constant 0 : i32
            %dma_start3A_93 = tpu.memref_slice %arg2[%dma_start3A_91, %dma_start3A_92] : memref<500000x128xf32, #tpu.memory_space<hbm>> -> memref<500000x128xf32, #tpu.memory_space<hbm>>
            tpu.enqueue_indirect_dma source(%dma_start3A_93 : memref<500000x128xf32, #tpu.memory_space<hbm>>) target(%arg12 : memref<128x128xf32, #tpu.memory_space<vmem>>) offsets(%dma_start3A_90 : memref<128xi32, #tpu.memory_space<vmem>>) semaphore(%arg14 : memref<!tpu.dma_semaphore, #tpu.memory_space<semaphore_mem>>)
          } else {
          }
          %dma_wait3A_73 = arith.constant 0 : i32
          %dma_wait3A_74 = tpu.memref_slice %arg7[%dma_wait3A_73] : memref<1024xi32, #tpu.memory_space<vmem>> -> memref<128xi32, #tpu.memory_space<vmem>>
          %dma_wait3A_75 = arith.constant 0 : i32
          %dma_wait3A_76 = arith.constant 0 : i32
          %dma_wait3A_77 = tpu.memref_slice %arg2[%dma_wait3A_75, %dma_wait3A_76] : memref<500000x128xf32, #tpu.memory_space<hbm>> -> memref<500000x128xf32, #tpu.memory_space<hbm>>
          tpu.wait_indirect_dma semaphore(%arg13 : memref<!tpu.dma_semaphore, #tpu.memory_space<semaphore_mem>>) src(%dma_wait3A_77 : memref<500000x128xf32, #tpu.memory_space<hbm>>) dst(%arg11 : memref<128x128xf32, #tpu.memory_space<vmem>>)
          %mul3A_78 = arith.constant 128 : i32
          %mul3A_79 = arith.muli %add3A_53, %mul3A_78 : i32
          %scan3A_80 = arith.constant 0 : i32
          %scan3A_81 = arith.constant 0 : i32
          %scan3A_82 = arith.constant 8 : i32
          %scan3A_83 = arith.addi %scan3A_81, %scan3A_82 : i32
          %scan3A_84 = arith.constant 1 : i32
          scf.for %scan3A_86 = %scan3A_81 to %scan3A_83 step %scan3A_84  : i32 {
            %mul3A_87 = arith.constant 16 : i32
            %mul3A_88 = arith.muli %scan3A_86, %mul3A_87 : i32
            %add3A_89 = arith.addi %mul3A_79, %mul3A_88 : i32
            %get3A = arith.index_cast %add3A_89 : i32 to index
            %get3A_90 = tpu.vector_load %arg6[%get3A] {strides = array<i32>} : memref<1024xi32, #tpu.memory_space<vmem>>, vector<16xi32>,
            %eq3A = arith.constant 0 : i32
            %eq3A_91 = vector.broadcast %eq3A : i32 to vector<16xi32>
            %eq3A_92 = arith.cmpi eq, %get3A_90, %eq3A_91 : vector<16xi32>
            %jit3A_93 = arith.constant 0.000000e+00 : f32
            %jit3A_94 = arith.constant 8.000000e+00 : f32
            %broadcast_in_dim3A = vector.broadcast %jit3A_93 : f32 to vector<16xf32>
            %broadcast_in_dim3A_95 = vector.broadcast %jit3A_94 : f32 to vector<16xf32>
            %select_n3A_96 = arith.select %eq3A_92, %broadcast_in_dim3A, %broadcast_in_dim3A_95 : vector<16xi1>, vector<16xf32>
            %and3A = arith.constant 1 : i32
            %and3A_97 = vector.broadcast %and3A : i32 to vector<16xi32>
            %and3A_98 = arith.andi %get3A_90, %and3A_97 : vector<16xi32>
            %mul3A_99 = arith.constant 64 : i32
            %mul3A_100 = vector.broadcast %mul3A_99 : i32 to vector<16xi32>
            %mul3A_101 = arith.muli %and3A_98, %mul3A_100 : vector<16xi32>
            %mul3A_102 = arith.constant 16 : i32
            %mul3A_103 = arith.muli %scan3A_86, %mul3A_102 : i32
            %add3A_104 = vector.broadcast %mul3A_103 : i32 to vector<16xi32>
            %add3A_105 = arith.addi %add3A_104, %iota3A : vector<16xi32>
            %add3A_106 = vector.broadcast %add3A_89 : i32 to vector<16xi32>
            %add3A_107 = arith.addi %add3A_106, %iota3A : vector<16xi32>
            %parallel_loop3A_108 = arith.constant 0 : i32
            %parallel_loop3A_109 = arith.constant 64 : i32
            %parallel_loop3A_110 = arith.constant 1 : i32
            scf.for %parallel_loop3A_111 = %parallel_loop3A_108 to %parallel_loop3A_109 step %parallel_loop3A_110  : i32 {
              %parallel_loop3A_112 = vector.broadcast %parallel_loop3A_111 : i32 to vector<16xi32>
              %parallel_loop3A_113 = arith.addi %parallel_loop3A_112, %iota3A : vector<16xi32>
              %parallel_loop3A_114 = arith.constant 63 : i32
              %parallel_loop3A_115 = vector.broadcast %parallel_loop3A_114 : i32 to vector<16xi32>
              %parallel_loop3A_116 = arith.andi %parallel_loop3A_113, %parallel_loop3A_115 : vector<16xi32>
              %parallel_loop3A_117 = arith.addi %mul3A_101, %parallel_loop3A_116 : vector<16xi32>
              %parallel_loop3A_118 = tpu.vector_load_idx %arg11[%add3A_105, %parallel_loop3A_117] : memref<128x128xf32, #tpu.memory_space<vmem>>[vector<16xi32>, vector<16xi32>], vector<16xf32>,
              %parallel_loop3A_119 = arith.index_cast %parallel_loop3A_111 : i32 to index
              %parallel_loop3A_120 = arith.constant 0 : index
              %parallel_loop3A_121 = tpu.vector_load %arg9[%parallel_loop3A_119, %parallel_loop3A_120] {strides = array<i32>} : memref<64x16xf32, #tpu.memory_space<vmem>>, vector<16xf32>,
              %parallel_loop3A_122 = arith.mulf %parallel_loop3A_118, %select_n3A_96 : vector<16xf32>
              %parallel_loop3A_123 = arith.addf %parallel_loop3A_122, %parallel_loop3A_121 : vector<16xf32>
              tpu.vector_store_idx %arg10[%parallel_loop3A_116, %add3A_107], %parallel_loop3A_123 : memref<64x1024xf32, #tpu.memory_space<vmem>>[vector<16xi32>, vector<16xi32>], vector<16xf32>,
            } {sc.loop_unroll_factor = 4 : i64, sc.parallel_access}
          }
          %scan3A_85 = arith.constant 8 : i32
        } else {
        }
        %mul3A_57 = arith.constant 2 : i32
        %mul3A_58 = arith.muli %scan3A_49, %mul3A_57 : i32
        %add3A_59 = arith.constant 1 : i32
        %add3A_60 = arith.addi %mul3A_58, %add3A_59 : i32
        %lt3A_61 = arith.constant 8 : i32
        %lt3A_62 = arith.cmpi slt, %add3A_60, %lt3A_61 : i32
        %convert_element_type3A_63 = arith.extui %lt3A_62 : i1 to i32
        %cond3A_64 = arith.constant 0 : i32
        %cond3A_65 = arith.cmpi ne, %convert_element_type3A_63, %cond3A_64 : i32
        scf.if %cond3A_65 {
          %add3A_66 = arith.constant 1 : i32
          %add3A_67 = arith.addi %add3A_60, %add3A_66 : i32
          %lt3A_68 = arith.constant 8 : i32
          %lt3A_69 = arith.cmpi slt, %add3A_67, %lt3A_68 : i32
          %convert_element_type3A_70 = arith.extui %lt3A_69 : i1 to i32
          %cond3A_71 = arith.constant 0 : i32
          %cond3A_72 = arith.cmpi ne, %convert_element_type3A_70, %cond3A_71 : i32
          scf.if %cond3A_72 {
            %add3A_86 = arith.constant 1 : i32
            %add3A_87 = arith.addi %add3A_60, %add3A_86 : i32
            %mul3A_88 = arith.constant 128 : i32
            %mul3A_89 = arith.muli %add3A_87, %mul3A_88 : i32
            %dma_start3A_90 = tpu.memref_slice %arg7[%mul3A_89] : memref<1024xi32, #tpu.memory_space<vmem>> -> memref<128xi32, #tpu.memory_space<vmem>>
            %dma_start3A_91 = arith.constant 0 : i32
            %dma_start3A_92 = arith.constant 0 : i32
            %dma_start3A_93 = tpu.memref_slice %arg2[%dma_start3A_91, %dma_start3A_92] : memref<500000x128xf32, #tpu.memory_space<hbm>> -> memref<500000x128xf32, #tpu.memory_space<hbm>>
            tpu.enqueue_indirect_dma source(%dma_start3A_93 : memref<500000x128xf32, #tpu.memory_space<hbm>>) target(%arg11 : memref<128x128xf32, #tpu.memory_space<vmem>>) offsets(%dma_start3A_90 : memref<128xi32, #tpu.memory_space<vmem>>) semaphore(%arg13 : memref<!tpu.dma_semaphore, #tpu.memory_space<semaphore_mem>>)
          } else {
          }
          %dma_wait3A_73 = arith.constant 0 : i32
          %dma_wait3A_74 = tpu.memref_slice %arg7[%dma_wait3A_73] : memref<1024xi32, #tpu.memory_space<vmem>> -> memref<128xi32, #tpu.memory_space<vmem>>
          %dma_wait3A_75 = arith.constant 0 : i32
          %dma_wait3A_76 = arith.constant 0 : i32
          %dma_wait3A_77 = tpu.memref_slice %arg2[%dma_wait3A_75, %dma_wait3A_76] : memref<500000x128xf32, #tpu.memory_space<hbm>> -> memref<500000x128xf32, #tpu.memory_space<hbm>>
          tpu.wait_indirect_dma semaphore(%arg14 : memref<!tpu.dma_semaphore, #tpu.memory_space<semaphore_mem>>) src(%dma_wait3A_77 : memref<500000x128xf32, #tpu.memory_space<hbm>>) dst(%arg12 : memref<128x128xf32, #tpu.memory_space<vmem>>)
          %mul3A_78 = arith.constant 128 : i32
          %mul3A_79 = arith.muli %add3A_60, %mul3A_78 : i32
          %scan3A_80 = arith.constant 0 : i32
          %scan3A_81 = arith.constant 0 : i32
          %scan3A_82 = arith.constant 8 : i32
          %scan3A_83 = arith.addi %scan3A_81, %scan3A_82 : i32
          %scan3A_84 = arith.constant 1 : i32
          scf.for %scan3A_86 = %scan3A_81 to %scan3A_83 step %scan3A_84  : i32 {
            %mul3A_87 = arith.constant 16 : i32
            %mul3A_88 = arith.muli %scan3A_86, %mul3A_87 : i32
            %add3A_89 = arith.addi %mul3A_79, %mul3A_88 : i32
            %get3A = arith.index_cast %add3A_89 : i32 to index
            %get3A_90 = tpu.vector_load %arg6[%get3A] {strides = array<i32>} : memref<1024xi32, #tpu.memory_space<vmem>>, vector<16xi32>,
            %eq3A = arith.constant 0 : i32
            %eq3A_91 = vector.broadcast %eq3A : i32 to vector<16xi32>
            %eq3A_92 = arith.cmpi eq, %get3A_90, %eq3A_91 : vector<16xi32>
            %jit3A_93 = arith.constant 0.000000e+00 : f32
            %jit3A_94 = arith.constant 8.000000e+00 : f32
            %broadcast_in_dim3A = vector.broadcast %jit3A_93 : f32 to vector<16xf32>
            %broadcast_in_dim3A_95 = vector.broadcast %jit3A_94 : f32 to vector<16xf32>
            %select_n3A_96 = arith.select %eq3A_92, %broadcast_in_dim3A, %broadcast_in_dim3A_95 : vector<16xi1>, vector<16xf32>
            %and3A = arith.constant 1 : i32
            %and3A_97 = vector.broadcast %and3A : i32 to vector<16xi32>
            %and3A_98 = arith.andi %get3A_90, %and3A_97 : vector<16xi32>
            %mul3A_99 = arith.constant 64 : i32
            %mul3A_100 = vector.broadcast %mul3A_99 : i32 to vector<16xi32>
            %mul3A_101 = arith.muli %and3A_98, %mul3A_100 : vector<16xi32>
            %mul3A_102 = arith.constant 16 : i32
            %mul3A_103 = arith.muli %scan3A_86, %mul3A_102 : i32
            %add3A_104 = vector.broadcast %mul3A_103 : i32 to vector<16xi32>
            %add3A_105 = arith.addi %add3A_104, %iota3A : vector<16xi32>
            %add3A_106 = vector.broadcast %add3A_89 : i32 to vector<16xi32>
            %add3A_107 = arith.addi %add3A_106, %iota3A : vector<16xi32>
            %parallel_loop3A_108 = arith.constant 0 : i32
            %parallel_loop3A_109 = arith.constant 64 : i32
            %parallel_loop3A_110 = arith.constant 1 : i32
            scf.for %parallel_loop3A_111 = %parallel_loop3A_108 to %parallel_loop3A_109 step %parallel_loop3A_110  : i32 {
              %parallel_loop3A_112 = vector.broadcast %parallel_loop3A_111 : i32 to vector<16xi32>
              %parallel_loop3A_113 = arith.addi %parallel_loop3A_112, %iota3A : vector<16xi32>
              %parallel_loop3A_114 = arith.constant 63 : i32
              %parallel_loop3A_115 = vector.broadcast %parallel_loop3A_114 : i32 to vector<16xi32>
              %parallel_loop3A_116 = arith.andi %parallel_loop3A_113, %parallel_loop3A_115 : vector<16xi32>
              %parallel_loop3A_117 = arith.addi %mul3A_101, %parallel_loop3A_116 : vector<16xi32>
              %parallel_loop3A_118 = tpu.vector_load_idx %arg12[%add3A_105, %parallel_loop3A_117] : memref<128x128xf32, #tpu.memory_space<vmem>>[vector<16xi32>, vector<16xi32>], vector<16xf32>,
              %parallel_loop3A_119 = arith.index_cast %parallel_loop3A_111 : i32 to index
              %parallel_loop3A_120 = arith.constant 0 : index
              %parallel_loop3A_121 = tpu.vector_load %arg9[%parallel_loop3A_119, %parallel_loop3A_120] {strides = array<i32>} : memref<64x16xf32, #tpu.memory_space<vmem>>, vector<16xf32>,
              %parallel_loop3A_122 = arith.mulf %parallel_loop3A_118, %select_n3A_96 : vector<16xf32>
              %parallel_loop3A_123 = arith.addf %parallel_loop3A_122, %parallel_loop3A_121 : vector<16xf32>
              tpu.vector_store_idx %arg10[%parallel_loop3A_116, %add3A_107], %parallel_loop3A_123 : memref<64x1024xf32, #tpu.memory_space<vmem>>[vector<16xi32>, vector<16xi32>], vector<16xf32>,
            } {sc.loop_unroll_factor = 4 : i64, sc.parallel_access}
          }
          %scan3A_85 = arith.constant 8 : i32
        } else {
        }
      }
      %scan3A_33 = arith.constant 4 : i32
      %dma_start3A_34 = arith.constant 0 : i32
      %dma_start3A_35 = arith.constant 0 : i32
      %dma_start3A_36 = tpu.memref_slice %arg5[%add3A_15, %dma_start3A_34, %dma_start3A_35] : memref<200x64x1024xf32, #tpu.memory_space<hbm>> -> memref<1x64x1024xf32, #tpu.memory_space<hbm>>
      %dma_start3A_37 = tpu.memref_squeeze %dma_start3A_36 : memref<1x64x1024xf32, #tpu.memory_space<hbm>> -> memref<64x1024xf32, #tpu.memory_space<hbm>>
      %dma_start3A_38 = arith.constant 0 : i32
      %dma_start3A_39 = arith.constant 0 : i32
      %dma_start3A_40 = tpu.memref_slice %arg5[%add3A_15, %dma_start3A_38, %dma_start3A_39] : memref<200x64x1024xf32, #tpu.memory_space<hbm>> -> memref<1x64x1024xf32, #tpu.memory_space<hbm>>
      %dma_start3A_41 = tpu.memref_squeeze %dma_start3A_40 : memref<1x64x1024xf32, #tpu.memory_space<hbm>> -> memref<64x1024xf32, #tpu.memory_space<hbm>>
      tpu.enqueue_dma source(%arg10 : memref<64x1024xf32, #tpu.memory_space<vmem>>) target(%dma_start3A_41 : memref<64x1024xf32, #tpu.memory_space<hbm>>) target_semaphore(%arg15 : memref<!tpu.dma_semaphore, #tpu.memory_space<semaphore_mem>>)
      %dma_wait3A = arith.constant 0 : i32
      %dma_wait3A_42 = arith.constant 0 : i32
      %dma_wait3A_43 = tpu.memref_slice %arg5[%add3A_15, %dma_wait3A, %dma_wait3A_42] : memref<200x64x1024xf32, #tpu.memory_space<hbm>> -> memref<1x64x1024xf32, #tpu.memory_space<hbm>>
      %dma_wait3A_44 = tpu.memref_squeeze %dma_wait3A_43 : memref<1x64x1024xf32, #tpu.memory_space<hbm>> -> memref<64x1024xf32, #tpu.memory_space<hbm>>
      %dma_wait3A_45 = arith.constant 0 : i32
      %dma_wait3A_46 = arith.constant 0 : i32
      %dma_wait3A_47 = tpu.memref_slice %arg5[%add3A_15, %dma_wait3A_45, %dma_wait3A_46] : memref<200x64x1024xf32, #tpu.memory_space<hbm>> -> memref<1x64x1024xf32, #tpu.memory_space<hbm>>
      %dma_wait3A_48 = tpu.memref_squeeze %dma_wait3A_47 : memref<1x64x1024xf32, #tpu.memory_space<hbm>> -> memref<64x1024xf32, #tpu.memory_space<hbm>>
      tpu.wait_dma2 semaphore(%arg15 : memref<!tpu.dma_semaphore, #tpu.memory_space<semaphore_mem>>) src(%arg10 : memref<64x1024xf32, #tpu.memory_space<vmem>>) dst(%dma_wait3A_48 : memref<64x1024xf32, #tpu.memory_space<hbm>>)
    }
    %while3A_11 = arith.constant 1 : i32
    scf.for %while3A_12 = %while3A_9 to %while3A_5 step %while3A_11  : i32 {
      %mul3A_13 = arith.constant 32 : i32
      %mul3A_14 = arith.muli %while3A_12, %mul3A_13 : i32
      %add3A_15 = arith.addi %add3A, %mul3A_14 : i32
      "tpu.region"() ({
        %run_scoped3A = tpu.sem_alloc : memref<!tpu.dma_semaphore, #tpu.memory_space<semaphore_mem>>
        %dma_start3A_49 = arith.constant 0 : i32
        %dma_start3A_50 = tpu.memref_slice %arg3[%add3A_15, %dma_start3A_49] : memref<200x1024xi32, #tpu.memory_space<hbm>> -> memref<1x1024xi32, #tpu.memory_space<hbm>>
        %dma_start3A_51 = tpu.memref_squeeze %dma_start3A_50 : memref<1x1024xi32, #tpu.memory_space<hbm>> -> memref<1024xi32, #tpu.memory_space<hbm>>
        %dma_start3A_52 = arith.constant 0 : i32
        %dma_start3A_53 = tpu.memref_slice %arg3[%add3A_15, %dma_start3A_52] : memref<200x1024xi32, #tpu.memory_space<hbm>> -> memref<1x1024xi32, #tpu.memory_space<hbm>>
        %dma_start3A_54 = tpu.memref_squeeze %dma_start3A_53 : memref<1x1024xi32, #tpu.memory_space<hbm>> -> memref<1024xi32, #tpu.memory_space<hbm>>
        tpu.enqueue_dma source(%dma_start3A_54 : memref<1024xi32, #tpu.memory_space<hbm>>) target(%arg6 : memref<1024xi32, #tpu.memory_space<vmem>>) target_semaphore(%run_scoped3A : memref<!tpu.dma_semaphore, #tpu.memory_space<semaphore_mem>>)
        %dma_wait3A_55 = arith.constant 0 : i32
        %dma_wait3A_56 = tpu.memref_slice %arg3[%add3A_15, %dma_wait3A_55] : memref<200x1024xi32, #tpu.memory_space<hbm>> -> memref<1x1024xi32, #tpu.memory_space<hbm>>
        %dma_wait3A_57 = tpu.memref_squeeze %dma_wait3A_56 : memref<1x1024xi32, #tpu.memory_space<hbm>> -> memref<1024xi32, #tpu.memory_space<hbm>>
        %dma_wait3A_58 = arith.constant 0 : i32
        %dma_wait3A_59 = tpu.memref_slice %arg3[%add3A_15, %dma_wait3A_58] : memref<200x1024xi32, #tpu.memory_space<hbm>> -> memref<1x1024xi32, #tpu.memory_space<hbm>>
        %dma_wait3A_60 = tpu.memref_squeeze %dma_wait3A_59 : memref<1x1024xi32, #tpu.memory_space<hbm>> -> memref<1024xi32, #tpu.memory_space<hbm>>
        tpu.wait_dma2 semaphore(%run_scoped3A : memref<!tpu.dma_semaphore, #tpu.memory_space<semaphore_mem>>) src(%dma_wait3A_60 : memref<1024xi32, #tpu.memory_space<hbm>>) dst(%arg6 : memref<1024xi32, #tpu.memory_space<vmem>>)
        tpu.yield
      }) : () -> ()
      %parallel_loop3A = arith.constant 0 : i32
      %parallel_loop3A_16 = arith.constant 64 : i32
      %parallel_loop3A_17 = arith.constant 1 : i32
      scf.for %parallel_loop3A_49 = %parallel_loop3A to %parallel_loop3A_16 step %parallel_loop3A_17  : i32 {
        %parallel_loop3A_50 = arith.constant 16 : i32
        %parallel_loop3A_51 = arith.muli %parallel_loop3A_49, %parallel_loop3A_50 : i32
        %parallel_loop3A_52 = arith.index_cast %parallel_loop3A_51 : i32 to index
        %parallel_loop3A_53 = tpu.vector_load %arg6[%parallel_loop3A_52] {strides = array<i32>} : memref<1024xi32, #tpu.memory_space<vmem>>, vector<16xi32>,
        %parallel_loop3A_54 = arith.constant 1 : i32
        %parallel_loop3A_55 = vector.broadcast %parallel_loop3A_54 : i32 to vector<16xi32>
        %parallel_loop3A_56 = arith.shrui %parallel_loop3A_53, %parallel_loop3A_55 : vector<16xi32>
        %parallel_loop3A_57 = arith.index_cast %parallel_loop3A_51 : i32 to index
        %parallel_loop3A_58 = tpu.vector_load %arg7[%parallel_loop3A_57] {strides = array<i32>} : memref<1024xi32, #tpu.memory_space<vmem>>, vector<16xi32>,
        tpu.vector_store %arg7[%parallel_loop3A_57], %parallel_loop3A_56 {strides = array<i32>} : memref<1024xi32, #tpu.memory_space<vmem>>, vector<16xi32>,
      } {sc.loop_unroll_factor = 4 : i64, sc.parallel_access}
      %mul3A_18 = arith.constant 0 : i32
      %mul3A_19 = arith.constant 128 : i32
      %mul3A_20 = arith.muli %mul3A_18, %mul3A_19 : i32
      %dma_start3A = tpu.memref_slice %arg7[%mul3A_20] : memref<1024xi32, #tpu.memory_space<vmem>> -> memref<128xi32, #tpu.memory_space<vmem>>
      %dma_start3A_21 = arith.constant 0 : i32
      %dma_start3A_22 = arith.constant 0 : i32
      %dma_start3A_23 = tpu.memref_slice %arg2[%dma_start3A_21, %dma_start3A_22] : memref<500000x128xf32, #tpu.memory_space<hbm>> -> memref<500000x128xf32, #tpu.memory_space<hbm>>
      tpu.enqueue_indirect_dma source(%dma_start3A_23 : memref<500000x128xf32, #tpu.memory_space<hbm>>) target(%arg11 : memref<128x128xf32, #tpu.memory_space<vmem>>) offsets(%dma_start3A : memref<128xi32, #tpu.memory_space<vmem>>) semaphore(%arg13 : memref<!tpu.dma_semaphore, #tpu.memory_space<semaphore_mem>>)
      %mul3A_24 = arith.constant 64 : i32
      %mul3A_25 = arith.muli %add3A_15, %mul3A_24 : i32
      %parallel_loop3A_26 = arith.constant 0 : i32
      %parallel_loop3A_27 = arith.constant 64 : i32
      %parallel_loop3A_28 = arith.constant 1 : i32
      scf.for %parallel_loop3A_49 = %parallel_loop3A_26 to %parallel_loop3A_27 step %parallel_loop3A_28  : i32 {
        %parallel_loop3A_50 = vector.broadcast %parallel_loop3A_49 : i32 to vector<16xi32>
        %parallel_loop3A_51 = arith.addi %parallel_loop3A_50, %iota3A : vector<16xi32>
        %parallel_loop3A_52 = arith.constant 63 : i32
        %parallel_loop3A_53 = vector.broadcast %parallel_loop3A_52 : i32 to vector<16xi32>
        %parallel_loop3A_54 = arith.andi %parallel_loop3A_51, %parallel_loop3A_53 : vector<16xi32>
        %parallel_loop3A_55 = vector.broadcast %mul3A_25 : i32 to vector<16xi32>
        %parallel_loop3A_56 = arith.addi %parallel_loop3A_55, %parallel_loop3A_54 : vector<16xi32>
        %parallel_loop3A_57 = tpu.vector_load_idx %arg8[%parallel_loop3A_56] : memref<12800xf32, #tpu.memory_space<vmem>>[vector<16xi32>], vector<16xf32>,
        %parallel_loop3A_58 = arith.index_cast %parallel_loop3A_49 : i32 to index
        %parallel_loop3A_59 = arith.constant 0 : index
        %parallel_loop3A_60 = tpu.vector_load %arg9[%parallel_loop3A_58, %parallel_loop3A_59] {strides = array<i32>} : memref<64x16xf32, #tpu.memory_space<vmem>>, vector<16xf32>,
        tpu.vector_store %arg9[%parallel_loop3A_58, %parallel_loop3A_59], %parallel_loop3A_57 {strides = array<i32>} : memref<64x16xf32, #tpu.memory_space<vmem>>, vector<16xf32>,
      } {sc.loop_unroll_factor = 4 : i64, sc.parallel_access}
      %scan3A = arith.constant 0 : i32
      %scan3A_29 = arith.constant 0 : i32
      %scan3A_30 = arith.constant 4 : i32
      %scan3A_31 = arith.addi %scan3A_29, %scan3A_30 : i32
      %scan3A_32 = arith.constant 1 : i32
      scf.for %scan3A_49 = %scan3A_29 to %scan3A_31 step %scan3A_32  : i32 {
        %mul3A_50 = arith.constant 2 : i32
        %mul3A_51 = arith.muli %scan3A_49, %mul3A_50 : i32
        %add3A_52 = arith.constant 0 : i32
        %add3A_53 = arith.addi %mul3A_51, %add3A_52 : i32
        %lt3A_54 = arith.constant 8 : i32
        %lt3A_55 = arith.cmpi slt, %add3A_53, %lt3A_54 : i32
        %convert_element_type3A = arith.extui %lt3A_55 : i1 to i32
        %cond3A = arith.constant 0 : i32
        %cond3A_56 = arith.cmpi ne, %convert_element_type3A, %cond3A : i32
        scf.if %cond3A_56 {
          %add3A_66 = arith.constant 1 : i32
          %add3A_67 = arith.addi %add3A_53, %add3A_66 : i32
          %lt3A_68 = arith.constant 8 : i32
          %lt3A_69 = arith.cmpi slt, %add3A_67, %lt3A_68 : i32
          %convert_element_type3A_70 = arith.extui %lt3A_69 : i1 to i32
          %cond3A_71 = arith.constant 0 : i32
          %cond3A_72 = arith.cmpi ne, %convert_element_type3A_70, %cond3A_71 : i32
          scf.if %cond3A_72 {
            %add3A_86 = arith.constant 1 : i32
            %add3A_87 = arith.addi %add3A_53, %add3A_86 : i32
            %mul3A_88 = arith.constant 128 : i32
            %mul3A_89 = arith.muli %add3A_87, %mul3A_88 : i32
            %dma_start3A_90 = tpu.memref_slice %arg7[%mul3A_89] : memref<1024xi32, #tpu.memory_space<vmem>> -> memref<128xi32, #tpu.memory_space<vmem>>
            %dma_start3A_91 = arith.constant 0 : i32
            %dma_start3A_92 = arith.constant 0 : i32
            %dma_start3A_93 = tpu.memref_slice %arg2[%dma_start3A_91, %dma_start3A_92] : memref<500000x128xf32, #tpu.memory_space<hbm>> -> memref<500000x128xf32, #tpu.memory_space<hbm>>
            tpu.enqueue_indirect_dma source(%dma_start3A_93 : memref<500000x128xf32, #tpu.memory_space<hbm>>) target(%arg12 : memref<128x128xf32, #tpu.memory_space<vmem>>) offsets(%dma_start3A_90 : memref<128xi32, #tpu.memory_space<vmem>>) semaphore(%arg14 : memref<!tpu.dma_semaphore, #tpu.memory_space<semaphore_mem>>)
          } else {
          }
          %dma_wait3A_73 = arith.constant 0 : i32
          %dma_wait3A_74 = tpu.memref_slice %arg7[%dma_wait3A_73] : memref<1024xi32, #tpu.memory_space<vmem>> -> memref<128xi32, #tpu.memory_space<vmem>>
          %dma_wait3A_75 = arith.constant 0 : i32
          %dma_wait3A_76 = arith.constant 0 : i32
          %dma_wait3A_77 = tpu.memref_slice %arg2[%dma_wait3A_75, %dma_wait3A_76] : memref<500000x128xf32, #tpu.memory_space<hbm>> -> memref<500000x128xf32, #tpu.memory_space<hbm>>
          tpu.wait_indirect_dma semaphore(%arg13 : memref<!tpu.dma_semaphore, #tpu.memory_space<semaphore_mem>>) src(%dma_wait3A_77 : memref<500000x128xf32, #tpu.memory_space<hbm>>) dst(%arg11 : memref<128x128xf32, #tpu.memory_space<vmem>>)
          %mul3A_78 = arith.constant 128 : i32
          %mul3A_79 = arith.muli %add3A_53, %mul3A_78 : i32
          %scan3A_80 = arith.constant 0 : i32
          %scan3A_81 = arith.constant 0 : i32
          %scan3A_82 = arith.constant 8 : i32
          %scan3A_83 = arith.addi %scan3A_81, %scan3A_82 : i32
          %scan3A_84 = arith.constant 1 : i32
          scf.for %scan3A_86 = %scan3A_81 to %scan3A_83 step %scan3A_84  : i32 {
            %mul3A_87 = arith.constant 16 : i32
            %mul3A_88 = arith.muli %scan3A_86, %mul3A_87 : i32
            %add3A_89 = arith.addi %mul3A_79, %mul3A_88 : i32
            %get3A = arith.index_cast %add3A_89 : i32 to index
            %get3A_90 = tpu.vector_load %arg6[%get3A] {strides = array<i32>} : memref<1024xi32, #tpu.memory_space<vmem>>, vector<16xi32>,
            %eq3A = arith.constant 0 : i32
            %eq3A_91 = vector.broadcast %eq3A : i32 to vector<16xi32>
            %eq3A_92 = arith.cmpi eq, %get3A_90, %eq3A_91 : vector<16xi32>
            %jit3A_93 = arith.constant 0.000000e+00 : f32
            %jit3A_94 = arith.constant 8.000000e+00 : f32
            %broadcast_in_dim3A = vector.broadcast %jit3A_93 : f32 to vector<16xf32>
            %broadcast_in_dim3A_95 = vector.broadcast %jit3A_94 : f32 to vector<16xf32>
            %select_n3A_96 = arith.select %eq3A_92, %broadcast_in_dim3A, %broadcast_in_dim3A_95 : vector<16xi1>, vector<16xf32>
            %and3A = arith.constant 1 : i32
            %and3A_97 = vector.broadcast %and3A : i32 to vector<16xi32>
            %and3A_98 = arith.andi %get3A_90, %and3A_97 : vector<16xi32>
            %mul3A_99 = arith.constant 64 : i32
            %mul3A_100 = vector.broadcast %mul3A_99 : i32 to vector<16xi32>
            %mul3A_101 = arith.muli %and3A_98, %mul3A_100 : vector<16xi32>
            %mul3A_102 = arith.constant 16 : i32
            %mul3A_103 = arith.muli %scan3A_86, %mul3A_102 : i32
            %add3A_104 = vector.broadcast %mul3A_103 : i32 to vector<16xi32>
            %add3A_105 = arith.addi %add3A_104, %iota3A : vector<16xi32>
            %add3A_106 = vector.broadcast %add3A_89 : i32 to vector<16xi32>
            %add3A_107 = arith.addi %add3A_106, %iota3A : vector<16xi32>
            %parallel_loop3A_108 = arith.constant 0 : i32
            %parallel_loop3A_109 = arith.constant 64 : i32
            %parallel_loop3A_110 = arith.constant 1 : i32
            scf.for %parallel_loop3A_111 = %parallel_loop3A_108 to %parallel_loop3A_109 step %parallel_loop3A_110  : i32 {
              %parallel_loop3A_112 = vector.broadcast %parallel_loop3A_111 : i32 to vector<16xi32>
              %parallel_loop3A_113 = arith.addi %parallel_loop3A_112, %iota3A : vector<16xi32>
              %parallel_loop3A_114 = arith.constant 63 : i32
              %parallel_loop3A_115 = vector.broadcast %parallel_loop3A_114 : i32 to vector<16xi32>
              %parallel_loop3A_116 = arith.andi %parallel_loop3A_113, %parallel_loop3A_115 : vector<16xi32>
              %parallel_loop3A_117 = arith.addi %mul3A_101, %parallel_loop3A_116 : vector<16xi32>
              %parallel_loop3A_118 = tpu.vector_load_idx %arg11[%add3A_105, %parallel_loop3A_117] : memref<128x128xf32, #tpu.memory_space<vmem>>[vector<16xi32>, vector<16xi32>], vector<16xf32>,
              %parallel_loop3A_119 = arith.index_cast %parallel_loop3A_111 : i32 to index
              %parallel_loop3A_120 = arith.constant 0 : index
              %parallel_loop3A_121 = tpu.vector_load %arg9[%parallel_loop3A_119, %parallel_loop3A_120] {strides = array<i32>} : memref<64x16xf32, #tpu.memory_space<vmem>>, vector<16xf32>,
              %parallel_loop3A_122 = arith.mulf %parallel_loop3A_118, %select_n3A_96 : vector<16xf32>
              %parallel_loop3A_123 = arith.addf %parallel_loop3A_122, %parallel_loop3A_121 : vector<16xf32>
              tpu.vector_store_idx %arg10[%parallel_loop3A_116, %add3A_107], %parallel_loop3A_123 : memref<64x1024xf32, #tpu.memory_space<vmem>>[vector<16xi32>, vector<16xi32>], vector<16xf32>,
            } {sc.loop_unroll_factor = 4 : i64, sc.parallel_access}
          }
          %scan3A_85 = arith.constant 8 : i32
        } else {
        }
        %mul3A_57 = arith.constant 2 : i32
        %mul3A_58 = arith.muli %scan3A_49, %mul3A_57 : i32
        %add3A_59 = arith.constant 1 : i32
        %add3A_60 = arith.addi %mul3A_58, %add3A_59 : i32
        %lt3A_61 = arith.constant 8 : i32
        %lt3A_62 = arith.cmpi slt, %add3A_60, %lt3A_61 : i32
        %convert_element_type3A_63 = arith.extui %lt3A_62 : i1 to i32
        %cond3A_64 = arith.constant 0 : i32
        %cond3A_65 = arith.cmpi ne, %convert_element_type3A_63, %cond3A_64 : i32
        scf.if %cond3A_65 {
          %add3A_66 = arith.constant 1 : i32
          %add3A_67 = arith.addi %add3A_60, %add3A_66 : i32
          %lt3A_68 = arith.constant 8 : i32
          %lt3A_69 = arith.cmpi slt, %add3A_67, %lt3A_68 : i32
          %convert_element_type3A_70 = arith.extui %lt3A_69 : i1 to i32
          %cond3A_71 = arith.constant 0 : i32
          %cond3A_72 = arith.cmpi ne, %convert_element_type3A_70, %cond3A_71 : i32
          scf.if %cond3A_72 {
            %add3A_86 = arith.constant 1 : i32
            %add3A_87 = arith.addi %add3A_60, %add3A_86 : i32
            %mul3A_88 = arith.constant 128 : i32
            %mul3A_89 = arith.muli %add3A_87, %mul3A_88 : i32
            %dma_start3A_90 = tpu.memref_slice %arg7[%mul3A_89] : memref<1024xi32, #tpu.memory_space<vmem>> -> memref<128xi32, #tpu.memory_space<vmem>>
            %dma_start3A_91 = arith.constant 0 : i32
            %dma_start3A_92 = arith.constant 0 : i32
            %dma_start3A_93 = tpu.memref_slice %arg2[%dma_start3A_91, %dma_start3A_92] : memref<500000x128xf32, #tpu.memory_space<hbm>> -> memref<500000x128xf32, #tpu.memory_space<hbm>>
            tpu.enqueue_indirect_dma source(%dma_start3A_93 : memref<500000x128xf32, #tpu.memory_space<hbm>>) target(%arg11 : memref<128x128xf32, #tpu.memory_space<vmem>>) offsets(%dma_start3A_90 : memref<128xi32, #tpu.memory_space<vmem>>) semaphore(%arg13 : memref<!tpu.dma_semaphore, #tpu.memory_space<semaphore_mem>>)
          } else {
          }
          %dma_wait3A_73 = arith.constant 0 : i32
          %dma_wait3A_74 = tpu.memref_slice %arg7[%dma_wait3A_73] : memref<1024xi32, #tpu.memory_space<vmem>> -> memref<128xi32, #tpu.memory_space<vmem>>
          %dma_wait3A_75 = arith.constant 0 : i32
          %dma_wait3A_76 = arith.constant 0 : i32
          %dma_wait3A_77 = tpu.memref_slice %arg2[%dma_wait3A_75, %dma_wait3A_76] : memref<500000x128xf32, #tpu.memory_space<hbm>> -> memref<500000x128xf32, #tpu.memory_space<hbm>>
          tpu.wait_indirect_dma semaphore(%arg14 : memref<!tpu.dma_semaphore, #tpu.memory_space<semaphore_mem>>) src(%dma_wait3A_77 : memref<500000x128xf32, #tpu.memory_space<hbm>>) dst(%arg12 : memref<128x128xf32, #tpu.memory_space<vmem>>)
          %mul3A_78 = arith.constant 128 : i32
          %mul3A_79 = arith.muli %add3A_60, %mul3A_78 : i32
          %scan3A_80 = arith.constant 0 : i32
          %scan3A_81 = arith.constant 0 : i32
          %scan3A_82 = arith.constant 8 : i32
          %scan3A_83 = arith.addi %scan3A_81, %scan3A_82 : i32
          %scan3A_84 = arith.constant 1 : i32
          scf.for %scan3A_86 = %scan3A_81 to %scan3A_83 step %scan3A_84  : i32 {
            %mul3A_87 = arith.constant 16 : i32
            %mul3A_88 = arith.muli %scan3A_86, %mul3A_87 : i32
            %add3A_89 = arith.addi %mul3A_79, %mul3A_88 : i32
            %get3A = arith.index_cast %add3A_89 : i32 to index
            %get3A_90 = tpu.vector_load %arg6[%get3A] {strides = array<i32>} : memref<1024xi32, #tpu.memory_space<vmem>>, vector<16xi32>,
            %eq3A = arith.constant 0 : i32
            %eq3A_91 = vector.broadcast %eq3A : i32 to vector<16xi32>
            %eq3A_92 = arith.cmpi eq, %get3A_90, %eq3A_91 : vector<16xi32>
            %jit3A_93 = arith.constant 0.000000e+00 : f32
            %jit3A_94 = arith.constant 8.000000e+00 : f32
            %broadcast_in_dim3A = vector.broadcast %jit3A_93 : f32 to vector<16xf32>
            %broadcast_in_dim3A_95 = vector.broadcast %jit3A_94 : f32 to vector<16xf32>
            %select_n3A_96 = arith.select %eq3A_92, %broadcast_in_dim3A, %broadcast_in_dim3A_95 : vector<16xi1>, vector<16xf32>
            %and3A = arith.constant 1 : i32
            %and3A_97 = vector.broadcast %and3A : i32 to vector<16xi32>
            %and3A_98 = arith.andi %get3A_90, %and3A_97 : vector<16xi32>
            %mul3A_99 = arith.constant 64 : i32
            %mul3A_100 = vector.broadcast %mul3A_99 : i32 to vector<16xi32>
            %mul3A_101 = arith.muli %and3A_98, %mul3A_100 : vector<16xi32>
            %mul3A_102 = arith.constant 16 : i32
            %mul3A_103 = arith.muli %scan3A_86, %mul3A_102 : i32
            %add3A_104 = vector.broadcast %mul3A_103 : i32 to vector<16xi32>
            %add3A_105 = arith.addi %add3A_104, %iota3A : vector<16xi32>
            %add3A_106 = vector.broadcast %add3A_89 : i32 to vector<16xi32>
            %add3A_107 = arith.addi %add3A_106, %iota3A : vector<16xi32>
            %parallel_loop3A_108 = arith.constant 0 : i32
            %parallel_loop3A_109 = arith.constant 64 : i32
            %parallel_loop3A_110 = arith.constant 1 : i32
            scf.for %parallel_loop3A_111 = %parallel_loop3A_108 to %parallel_loop3A_109 step %parallel_loop3A_110  : i32 {
              %parallel_loop3A_112 = vector.broadcast %parallel_loop3A_111 : i32 to vector<16xi32>
              %parallel_loop3A_113 = arith.addi %parallel_loop3A_112, %iota3A : vector<16xi32>
              %parallel_loop3A_114 = arith.constant 63 : i32
              %parallel_loop3A_115 = vector.broadcast %parallel_loop3A_114 : i32 to vector<16xi32>
              %parallel_loop3A_116 = arith.andi %parallel_loop3A_113, %parallel_loop3A_115 : vector<16xi32>
              %parallel_loop3A_117 = arith.addi %mul3A_101, %parallel_loop3A_116 : vector<16xi32>
              %parallel_loop3A_118 = tpu.vector_load_idx %arg12[%add3A_105, %parallel_loop3A_117] : memref<128x128xf32, #tpu.memory_space<vmem>>[vector<16xi32>, vector<16xi32>], vector<16xf32>,
              %parallel_loop3A_119 = arith.index_cast %parallel_loop3A_111 : i32 to index
              %parallel_loop3A_120 = arith.constant 0 : index
              %parallel_loop3A_121 = tpu.vector_load %arg9[%parallel_loop3A_119, %parallel_loop3A_120] {strides = array<i32>} : memref<64x16xf32, #tpu.memory_space<vmem>>, vector<16xf32>,
              %parallel_loop3A_122 = arith.mulf %parallel_loop3A_118, %select_n3A_96 : vector<16xf32>
              %parallel_loop3A_123 = arith.addf %parallel_loop3A_122, %parallel_loop3A_121 : vector<16xf32>
              tpu.vector_store_idx %arg10[%parallel_loop3A_116, %add3A_107], %parallel_loop3A_123 : memref<64x1024xf32, #tpu.memory_space<vmem>>[vector<16xi32>, vector<16xi32>], vector<16xf32>,
            } {sc.loop_unroll_factor = 4 : i64, sc.parallel_access}
          }
          %scan3A_85 = arith.constant 8 : i32
        } else {
        }
      }
      %scan3A_33 = arith.constant 4 : i32
      %dma_start3A_34 = arith.constant 0 : i32
      %dma_start3A_35 = arith.constant 0 : i32
      %dma_start3A_36 = tpu.memref_slice %arg5[%add3A_15, %dma_start3A_34, %dma_start3A_35] : memref<200x64x1024xf32, #tpu.memory_space<hbm>> -> memref<1x64x1024xf32, #tpu.memory_space<hbm>>
      %dma_start3A_37 = tpu.memref_squeeze %dma_start3A_36 : memref<1x64x1024xf32, #tpu.memory_space<hbm>> -> memref<64x1024xf32, #tpu.memory_space<hbm>>
      %dma_start3A_38 = arith.constant 0 : i32
      %dma_start3A_39 = arith.constant 0 : i32
      %dma_start3A_40 = tpu.memref_slice %arg5[%add3A_15, %dma_start3A_38, %dma_start3A_39] : memref<200x64x1024xf32, #tpu.memory_space<hbm>> -> memref<1x64x1024xf32, #tpu.memory_space<hbm>>
      %dma_start3A_41 = tpu.memref_squeeze %dma_start3A_40 : memref<1x64x1024xf32, #tpu.memory_space<hbm>> -> memref<64x1024xf32, #tpu.memory_space<hbm>>
      tpu.enqueue_dma source(%arg10 : memref<64x1024xf32, #tpu.memory_space<vmem>>) target(%dma_start3A_41 : memref<64x1024xf32, #tpu.memory_space<hbm>>) target_semaphore(%arg15 : memref<!tpu.dma_semaphore, #tpu.memory_space<semaphore_mem>>)
      %dma_wait3A = arith.constant 0 : i32
      %dma_wait3A_42 = arith.constant 0 : i32
      %dma_wait3A_43 = tpu.memref_slice %arg5[%add3A_15, %dma_wait3A, %dma_wait3A_42] : memref<200x64x1024xf32, #tpu.memory_space<hbm>> -> memref<1x64x1024xf32, #tpu.memory_space<hbm>>
      %dma_wait3A_44 = tpu.memref_squeeze %dma_wait3A_43 : memref<1x64x1024xf32, #tpu.memory_space<hbm>> -> memref<64x1024xf32, #tpu.memory_space<hbm>>
      %dma_wait3A_45 = arith.constant 0 : i32
      %dma_wait3A_46 = arith.constant 0 : i32
      %dma_wait3A_47 = tpu.memref_slice %arg5[%add3A_15, %dma_wait3A_45, %dma_wait3A_46] : memref<200x64x1024xf32, #tpu.memory_space<hbm>> -> memref<1x64x1024xf32, #tpu.memory_space<hbm>>
      %dma_wait3A_48 = tpu.memref_squeeze %dma_wait3A_47 : memref<1x64x1024xf32, #tpu.memory_space<hbm>> -> memref<64x1024xf32, #tpu.memory_space<hbm>>
      tpu.wait_dma2 semaphore(%arg15 : memref<!tpu.dma_semaphore, #tpu.memory_space<semaphore_mem>>) src(%arg10 : memref<64x1024xf32, #tpu.memory_space<vmem>>) dst(%dma_wait3A_48 : memref<64x1024xf32, #tpu.memory_space<hbm>>)
    }
    return
  }
}

</mosaic_0001>

<sc_bundles>
// kernel: kernel.4.cloned.1.call-start
scs
__scs_entry_jumppad:
0x0: {  	(pc) =	sbr.rel $0x88, $3  }
0x1: {  	(tag) =	ssettag $0x0;
	lr =	simm.s32 $0x1  }
0x2: {  	[smem:$0x3F9F] =	sst lr;
	_ =	strace $0xD0000000  }
0x3: {  	_ = 	snop  }
0x4: {  	_ = 	snop  }
0x5: {  	_ = 	snop  }
0x6: {  	_ = 	snop  }
0x7: {  	_ = 	snop  }
__scs_overlays_trampoline_lowered:
0x8: {  	[smem:$0x3FAE] =	sst s0  }
0x9: {  	[smem:$0x3FAF] =	sst s1  }
0xa: {  	[smem:$0x3FB0] =	sst s2  }
0xb: {  	[smem:$0x3FB1] =	sst s3  }
0xc: {  	[smem:$0x3FB2] =	sst s4  }
0xd: {  	[smem:$0x3FB3] =	sst s5  }
0xe: {  	[smem:$0x3FB4] =	sst s6  }
0xf: {  	[smem:$0x3FB5] =	sst s7  }
0x10: {  	[smem:$0x3FB6] =	sst s8  }
0x11: {  	[smem:$0x3FB7] =	sst s9;
	s0 =	simm.s32 @!p0 $0x0  }
0x12: {  	s1 =	sld [smem:$0x3F9D];
	s0 =	simm.s32 @p0 $0x1  }
0x13: {  	[smem:$0x3FB8] =	sst s0;
	s0 =	simm.s32 @!p1 $0x0  }
0x14: {  	s2 =	sld [smem:$0x3F9C];
	s0 =	simm.s32 @p1 $0x1  }
0x15: {  	[smem:$0x3FB9] =	sst s0;
	s0 =	simm.s32 @!p2 $0x0  }
0x16: {  	s3 =	sld [smem:$0x3FDB];
	s0 =	simm.s32 @p2 $0x1  }
0x17: {  	s4 =	simm.s32 $0x1BF5;
	[smem:$0x3FBB] =	sst s0  }
0x18: {  	s0 =	sld [smem:$0x3F9E];
	_ =	swait.ge [sflag:s4], $0x0  }
0x19: {  	s7 =	sld [smem:$0x3F9F]  }
0x1a: {  	s8 =	sadd.s32 $0xFFFFE003, lr  }
0x1b: {  	s9 =	sadd.s32 $0xFFFFFEF7, lr;
	s5 =	simm.s32 $0xFFFFFFFF;
	p2 =	slt.u32 s8, $0xFFFFF086  }
0x1c: {  	p1 =	slt.u32 s9, $0xF7A;
	s5 =	simm.s32 @!p2 $0x0  }
0x1d: {  	s5 =	simm.s32 @p1 $0x1;
	p0 =	seq.s32 s7, s2  }
0x1e: {  	s7 =	smul.u32 @!p0 $0xF7A, s2;
	p2 =	seq.s32 @!p0 s5, $0x0  }
0x1f: {  	s9 =	smul.u32 $0xF7A, s1;
	s8 =	simm.s32 @!p0 $0x1BF5;
	p2 =	por !p2, p0  }
0x20: {  	[sflag:s8] =	ssyncset.s32 @!p0 $0xFFFFF086;
	s6 =	sadd.s32 @!p0 s3, s7;
	s7 =	simm.s32 @!p0 $0x108  }
0x21: {  	s3 =	sadd.s32 s3, s9;
	s6 =	sadd.s32 @!p0 $0x88, s6;
	s7 =	simm.s32 @p2 $0x1082  }
0x22: {  	[simem:s7], [sflag:s8] =	dma.local @!p0 [hbm:s6], $0xF7A  }
0x23: {  	s9 =	sor.u32 $0xD0000000, s2;
	s6 =	simm.s32 $0x108;
	_ =	swait.ge @!p0 [sflag:s8], $0x0  }
0x24: {  	s3 =	sadd.s32 $0x88, s3;
	s6 =	simm.s32 @!p1 $0x1082;
	[sflag:s4] =	ssyncset.s32 $0xFFFFF086  }
0x25: {  	[simem:s6], [sflag:s4] =	dma.local [hbm:s3], $0xF7A  }
0x26: {  	[smem:$0x3F9F] =	sst s1;
	(tag) =	ssettag s2;
	_ =	strace s9  }
0x27: {  	s1 =	sld [smem:$0x3FAF]  }
0x28: {  	s2 =	sld [smem:$0x3FB0]  }
0x29: {  	s4 =	sld [smem:$0x3FB2]  }
0x2a: {  	p0 =	seq.s32 s5, $0x0;
	s5 =	sld [smem:$0x3FB3]  }
0x2b: {  	s6 =	sld [smem:$0x3FB4]  }
0x2c: {  	s7 =	sld [smem:$0x3FB5]  }
0x2d: {  	s3 =	simm.s32 $0x108;
	s8 =	sld [smem:$0x3FB6]  }
0x2e: {  	s3 =	simm.s32 @!p0 $0x1082;
	s9 =	sld [smem:$0x3FB7]  }
0x2f: {  	lr =	sadd.s32 s0, s3;
	s0 =	sld [smem:$0x3FAE]  }
0x30: {  	s3 =	sld [smem:$0x3FB1]  }
0x31: {  	[smem:$0x3FBA] =	sst s10  }
0x32: {  	s10 =	sld [smem:$0x3FB8];
	_ =	sdelay $0x3  }
0x33: {  	p0 =	seq.s32 s10, $0x1;
	s10 =	sld [smem:$0x3FBA];
	_ =	sdelay $0x3  }
0x34: {  	[smem:$0x3FBA] =	sst s10  }
0x35: {  	s10 =	sld [smem:$0x3FB9];
	_ =	sdelay $0x3  }
0x36: {  	p1 =	seq.s32 s10, $0x1;
	s10 =	sld [smem:$0x3FBA];
	_ =	sdelay $0x3  }
0x37: {  	[smem:$0x3FBA] =	sst s10  }
0x38: {  	s10 =	sld [smem:$0x3FBB]  }
0x39: {  	_ = 	snop;
	(pc) =	sbr.ind lr, $3  }
0x3a: {  	_ = 	snop  }
0x3b: {  	_ = 	snop  }
0x3c: {  	p2 =	seq.s32 s10, $0x1;
	s10 =	sld [smem:$0x3FBA]  }
0x3d: {  	_ =	shalt  }
0x3e: {  	_ =	shalt  }
0x3f: {  	_ =	shalt  }
0x40: {  	_ =	shalt  }
0x41: {  	_ =	shalt  }
0x42: {  	_ =	shalt  }
0x43: {  	_ =	shalt  }
0x44: {  	_ =	shalt  }
0x45: {  	_ =	shalt  }
0x46: {  	_ =	shalt  }
0x47: {  	_ =	shalt  }
0x48: {  	_ =	shalt  }
0x49: {  	_ =	shalt  }
0x4a: {  	_ =	shalt  }
0x4b: {  	_ =	shalt  }
0x4c: {  	_ =	shalt  }
0x4d: {  	_ =	shalt  }
0x4e: {  	_ =	shalt  }
0x4f: {  	_ =	shalt  }
0x50: {  	_ =	shalt  }
0x51: {  	_ =	shalt  }
0x52: {  	_ =	shalt  }
0x53: {  	_ =	shalt  }
0x54: {  	_ =	shalt  }
0x55: {  	_ =	shalt  }
0x56: {  	_ =	shalt  }
0x57: {  	_ =	shalt  }
0x58: {  	_ =	shalt  }
0x59: {  	_ =	shalt  }
0x5a: {  	_ =	shalt  }
0x5b: {  	_ =	shalt  }
0x5c: {  	_ =	shalt  }
0x5d: {  	_ =	shalt  }
0x5e: {  	_ =	shalt  }
0x5f: {  	_ =	shalt  }
0x60: {  	_ =	shalt  }
0x61: {  	_ =	shalt  }
0x62: {  	_ =	shalt  }
0x63: {  	_ =	shalt  }
0x64: {  	_ =	shalt  }
0x65: {  	_ =	shalt  }
0x66: {  	_ =	shalt  }
0x67: {  	_ =	shalt  }
0x68: {  	_ =	shalt  }
0x69: {  	_ =	shalt  }
0x6a: {  	_ =	shalt  }
0x6b: {  	_ =	shalt  }
0x6c: {  	_ =	shalt  }
0x6d: {  	_ =	shalt  }
0x6e: {  	_ =	shalt  }
0x6f: {  	_ =	shalt  }
0x70: {  	_ =	shalt  }
0x71: {  	_ =	shalt  }
0x72: {  	_ =	shalt  }
0x73: {  	_ =	shalt  }
0x74: {  	_ =	shalt  }
0x75: {  	_ =	shalt  }
0x76: {  	_ =	shalt  }
0x77: {  	_ =	shalt  }
0x78: {  	_ =	shalt  }
0x79: {  	_ =	shalt  }
0x7a: {  	_ =	shalt  }
0x7b: {  	_ =	shalt  }
0x7c: {  	_ =	shalt  }
0x7d: {  	_ =	shalt  }
0x7e: {  	_ =	shalt  }
0x7f: {  	_ =	shalt  }
0x80: {  	_ =	shalt  }
0x81: {  	_ =	shalt  }
0x82: {  	_ =	shalt  }
0x83: {  	_ =	shalt  }
0x84: {  	_ =	shalt  }
0x85: {  	_ =	shalt  }
0x86: {  	_ =	shalt  }
0x87: {  	_ =	shalt  }
.Lfunc_end0:
.L_simem_size_0:
called_computation_lowered:
.L_overlay_start_0:
0x88: {  	s2 =	sld [smem:$0x3FD9]  }
0x89: {  	s3 =	sld [smem:$0x3FFE];
	_ =	sdelay $0x1  }
0x8a: {  	s1 =	srdreg.scid  }
0x8b: {  	s0 =	sand.u32 $0x1, s1  }
0x8c: {  	s17 =	sshll.u32 s0, $0xA;
	s2 =	sadd.s32 s3, s2  }
0x8d: {  	s2 =	sadd.s32 s2, s17  }
0x8e: {  	[smem:$0x3FC6] =	sst s2  }
0x8f: {  	_ = 	snop  }
0x90: {  	s2 =	sld [smem:$0x3FC8]  }
0x91: {  	s18 =	sld [smem:$0x3FD0];
	(tm) =	ssettm $0x1  }
0x92: {  	s4 =	sld [smem:$0x3FFB];
	_ =	sdelay $0x3  }
0x93: {  	_ =	strace s4  }
0x94: {  	s4 =	sld [smem:$0x3FFC];
	_ =	sdelay $0x3  }
0x95: {  	_ =	strace s4  }
0x96: {  	s4 =	sld [smem:$0x3FFD];
	_ =	sdelay $0x3  }
0x97: {  	_ =	strace s4  }
0x98: {  	_ =	strace $0x8FFFFFFF  }
0x99: {  	s19 =	sld [smem:$0x3FDB];
	_ =	sdelay $0x1  }
0x9a: {  	s5 =	simm.s32 $_scs_section_size  }
0x9b: {  	s6 =	simm.s32 $_size__tile_overlayer_lowered;
	s7 =	simm.s32 $_tile_overlayer_lowered  }
0x9c: {  	s22 =	simm.s32 $0x1BFF;
	s21 =	sshll.u32 s7, $0x1;
	s4 =	sadd.s32 s5, s19  }
0x9d: {  	s8 =	simm.s32 $0x0;
	s20 =	sshll.u32 s6, $0x1;
	s6 =	sadd.s32 s21, s4  }
0x9e: {  	[timem:s8], [sflag:s22] =	dma.local [hbm:s6], s20  }
0x9f: {  	_ =	swait.ge [sflag:s22], s20  }
0xa0: {  	s5 =	ssub.s32 $0x0, s20;
	[sflag:s22] =	ssyncset.done $0x0  }
0xa1: {  	[sflag:s22] =	ssyncadd.s32 s5;
	_ =	sdelay $0x1  }
0xa2: {  	s23 =	simm.s32 $0x1B8B  }
0xa3: {  	_ =	swait.ge [sflag:s23], $0x1  }
0xa4: {  	[sflag:s23] =	ssyncset.done $0x0  }
0xa5: {  	s25 =	simm.s32 $0x1B8E;
	s24 =	sld [smem:$0x3FFE];
	[sflag:s23] =	ssyncadd.s32 $0xFFFFFFFF  }
0xa6: {  	s26 =	simm.s32 $execute0_lowered;
	[smem:$0x3FD2] =	sst s25  }
0xa7: {  	s6 =	sshll.u32 s26, $0x1;
	_ =	strace $0x80000046;
	[dreg:$0x1] =	wrdreg $0xFFFFFFFF  }
0xa8: {  	s28 =	simm.s32 $_size_execute0_lowered;
	s4 =	sadd.s32 s4, s6;
	[dreg:$0x0] =	wrdreg $0x0  }
0xa9: {  	s6 =	sshll.u32 s28, $0x1;
	[dreg:$0x2] =	wrdreg s4  }
0xaa: {  	[dreg:$0x3] =	wrdreg s6  }
0xab: {  	[dreg:$0x4] =	wrdreg $0xC0  }
0xac: {  	_ =	task [dreg:s8], $0x5FFFF  }
0xad: {  	[dreg:$0x1] =	wrdreg $0xFFFFFFFF  }
0xae: {  	[dreg:$0x0] =	wrdreg $0x60  }
0xaf: {  	[dreg:$0x2] =	wrdreg s2  }
0xb0: {  	[dreg:$0x3] =	wrdreg s18  }
0xb1: {  	[dreg:$0x4] =	wrdreg s24  }
0xb2: {  	[dreg:$0x5] =	wrdreg $0x9  }
0xb3: {  	_ =	task.clear_ibuf [dreg:s8], $0x6FFFF;
	_ =	strace $0x90000046  }
0xb4: {  	s29 =	simm.s32 $0x9;
	_ =	strace $0x80000048  }
0xb5: {  	_ =	swait.ge [sflag:s29], $0x1  }
0xb6: {  	[sflag:s29] =	ssyncadd.s32 $0xFFFFFFFF  }
0xb7: {  	_ =	strace $0x90000048  }
0xb8: {  	_ =	sfence  }
0xb9: {  	s30 =	sld [smem:$0x0];
	_ =	sdelay $0x2  }
0xba: {  	s31 =	sshll.u32 s1, $0xD;
	s1 =	sshrl.u32 s1, $0x2  }
0xbb: {  	s3 =	sand.u32 $0x4000, s31;
	s1 =	sadd.s32 s1, s30  }
0xbc: {  	s0 =	sor.u32 s3, s0;
	s1 =	sshll.u32 s1, $0x11  }
0xbd: {  	s0 =	sor.u32 s1, s0  }
0xbe: {  	s0 =	sadd.s32 $0x8F2B, s0  }
0xbf: {  	[sflag:s0] =	ssyncadd.remote.s32 $0x1  }
0xc0: {  	_ =	sfence.sel $0xFFFF  }
0xc1: {  	[dreg:$0x0] =	wrdreg $0xFFFFFFFF;
	(pc) =	sbr.abs _section_cstart, $3  }
0xc2: {  	[dreg:$0x1] =	wrdreg $0xFFFFFFFF  }
0xc3: {  	_ =	task.clear_ibuf [dreg:s8], $0x2FFFF;
	_ =	strace $0x9FFFFFFF  }
0xc4: {  	(tm) =	ssettm $0x7FFFFFFF  }
0xc5: {  	_ =	shalt  }
tec
execute0_lowered:
.L_overlay_start_1:
0x0: {  	(tag) =	ssettag $0x1  }
0x1: {  	v0 =	vimm.s32 $0xB80;
	vm15 =	vcmask $0x300  }
0x2: {  	vm14 =	vcmask $0x704;
	v0 =	vsel vm15, $0x0, v0  }
0x3: {  	vm13 =	vcmask $0xB08;
	v0 =	vsel vm14, $0x80, v0  }
0x4: {  	vm12 =	vcmask $0xF0C;
	v0 =	vsel vm13, $0x100, v0  }
0x5: {  	vm11 =	vcmask $0x1310;
	v0 =	vsel vm12, $0x180, v0  }
0x6: {  	vm10 =	vcmask $0x1714;
	v0 =	vsel vm11, $0x200, v0  }
0x7: {  	vm9 =	vcmask $0x1B18;
	v0 =	vsel vm10, $0x280, v0  }
0x8: {  	vm8 =	vcmask $0x1F1C;
	vm7 =	vcmask $0x2320;
	v0 =	vsel vm9, $0x300, v0  }
0x9: {  	vm6 =	vcmask $0x2724;
	vm5 =	vcmask $0x2B28;
	v0 =	vsel vm8, $0x380, v0  }
0xa: {  	v1 =	vimm.s32 $0x1B80;
	vm3 =	vcmask $0x2F2C;
	v0 =	vsel vm7, $0x800, v0  }
0xb: {  	vm2 =	vcmask $0x3330;
	vm1 =	vcmask $0x3734;
	v0 =	vsel vm6, $0x880, v0  }
0xc: {  	vm0 =	vcmask $0x3B38;
	v1 =	vsel vm15, $0x1000, v1;
	v0 =	vsel vm5, $0x900, v0  }
0xd: {  	v4 =	vimm.s32 $0x4F0E4D0C;
	v1 =	vsel vm14, $0x1080, v1;
	v0 =	vsel vm3, $0x980, v0  }
0xe: {  	vm4 =	vcmask $0x1F10;
	v1 =	vsel vm13, $0x1100, v1;
	v0 =	vsel vm2, $0xA00, v0  }
0xf: {  	v5 =	vimm.s32 $0x43024100;
	v3 =	vsel vm12, $0x1180, v1;
	v2 =	vsel vm1, $0xA80, v0  }
0x10: {  	v6 =	vimm.s32 $0x47064504;
	v1 =	vsel vm0, $0xB00, v2;
	v2 =	vsel vm11, $0x1200, v3  }
0x11: {  	v7 =	vimm.s32 $0x2B80;
	v3 =	vimm.s32 $0x4B0A4908;
	v2 =	vsel vm10, $0x1280, v2  }
0x12: {  	v4 =	vunpack.c.0.s8.s32 v4;
	v3 =	vunpack.c.0.s8.s32 v3;
	v2 =	vsel vm9, $0x1300, v2  }
0x13: {  	v11 =	vimm.s32 $0x7F3E7D3C;
	v5 =	vunpack.c.0.s8.s32 v5;
	v2 =	vsel vm8, $0x1380, v2  }
0x14: {  	v6 =	vunpack.c.0.s8.s32 v6;
	v3 =	vsel vm4, v4, v3;
	v2 =	vsel vm7, $0x1800, v2  }
0x15: {  	v4 =	vsel vm15, $0x2000, v7;
	v7 =	vimm.s32 $0x5F1E5D1C;
	v2 =	vsel vm6, $0x1880, v2  }
0x16: {  	v5 =	vsel vm4, v6, v5;
	v7 =	vunpack.c.0.s8.s32 v7;
	v2 =	vsel vm5, $0x1900, v2  }
0x17: {  	v6 =	vsel vm3, $0x1980, v2;
	v2 =	vsel vm14, $0x2080, v4;
	v4 =	vimm.s32 $0x5B1A5918  }
0x18: {  	v27 =	vcombine.low v5, v3;
	v2 =	vsel vm13, $0x2100, v2;
	v4 =	vunpack.c.0.s8.s32 v4  }
0x19: {  	v3 =	vsel vm2, $0x1A00, v6;
	v6 =	vimm.s32 $0x53125110;
	v8 =	vsel vm12, $0x2180, v2  }
0x1a: {  	v5 =	vsel vm11, $0x2200, v8;
	v4 =	vsel vm4, v7, v4;
	v7 =	vimm.s32 $0x57165514  }
0x1b: {  	v6 =	vunpack.c.0.s8.s32 v6;
	v5 =	vsel vm10, $0x2280, v5;
	v7 =	vunpack.c.0.s8.s32 v7  }
0x1c: {  	v11 =	vunpack.c.0.s8.s32 v11;
	v9 =	vsel vm1, $0x1A80, v3;
	v5 =	vsel vm9, $0x2300, v5  }
0x1d: {  	v8 =	vimm.s32 $0x3B80;
	v5 =	vsel vm8, $0x2380, v5;
	v6 =	vsel vm4, v7, v6  }
0x1e: {  	v3 =	vsel vm7, $0x2800, v5;
	v5 =	vsel vm15, $0x3000, v8;
	v8 =	vimm.s32 $0x6F2E6D2C  }
0x1f: {  	v7 =	vsel vm6, $0x2880, v3;
	v3 =	vsel vm14, $0x3080, v5;
	v5 =	vimm.s32 $0x6B2A6928  }
0x20: {  	s5 =	rddreg [dreg:$0x0];
	v8 =	vunpack.c.0.s8.s32 v8;
	v3 =	vsel vm13, $0x3100, v3;
	v5 =	vunpack.c.0.s8.s32 v5  }
0x21: {  	s0 =	rddreg [dreg:$0x1];
	v56 =	vcombine.low v6, v4;
	v4 =	vsel vm5, $0x2900, v7;
	v10 =	vsel vm12, $0x3180, v3  }
0x22: {  	s7 =	rddreg [dreg:$0x2];
	s11 =	simm.s32 $0x800;
	s12 =	simm.s32 $0x7A1400;
	v4 =	vsel vm3, $0x2980, v4;
	v6 =	vsel vm11, $0x3200, v10;
	v7 =	vsel vm4, v8, v5  }
0x23: {  	s2 =	simm.s32 $0x0;
	s3 =	srdreg.scid;
	s1 =	stileid.u32;
	v8 =	vimm.s32 $0x67266524;
	v10 =	vimm.s32 $0x7B3A7938;
	v5 =	vsel vm10, $0x3280, v6  }
0x24: {  	s13 =	simm.s32 $0x1;
	s14 =	simm.s32 $0x8000;
	s16 =	simm.s32 $0x4000;
	v6 =	vimm.s32 $0x63226120;
	v8 =	vunpack.c.0.s8.s32 v8;
	v5 =	vsel vm9, $0x3300, v5  }
0x25: {  	[smem:$0x7FF] =	sst s2;
	s4 =	sand.u32 $0x1, s3;
	s6 =	sshll.u32 s1, $0x1;
	v10 =	vunpack.c.0.s8.s32 v10;
	v6 =	vunpack.c.0.s8.s32 v6;
	v5 =	vsel vm8, $0x3380, v5  }
0x26: {  	s17 =	simm.s32 $0xC000;
	s3 =	rddreg [dreg:$0x3];
	s18 =	sor.u32 s4, s6;
	v12 =	vsel vm2, $0x2A00, v4;
	v5 =	vsel vm7, $0x3800, v5  }
0x27: {  	_ =	strace $0x80000047;
	s8 =	ssub.s32 $0x2, s4;
	s4 =	simm.s32 $0x7B;
	v6 =	vsel vm4, v8, v6;
	v8 =	vsel vm4, v11, v10;
	v5 =	vsel vm6, $0x3880, v5  }
0x28: {  	s15 =	simm.s32 $0x2;
	p0 =	seq.s32 s1, $0x0;
	s6 =	sshll.u32 s18, $0xB;
	v10 =	vimm.s32 $0x77367534;
	v4 =	vsel vm5, $0x3900, v5;
	v5 =	vimm.s32 $0x73327130  }
0x29: {  	s9 =	sshrl.u32 s8, $0x1;
	s4 =	simm.s32 @!p0 $0x7A;
	s30 =	sshll.u32 s18, $0x8;
	v0 =	vlaneseq.u32;
	v10 =	vunpack.c.0.s8.s32 v10;
	v13 =	vunpack.c.0.s8.s32 v5  }
.Ltmp0:
0x2a: {  	s6 =	sadd.s32 s6, s7;
	s10 =	ssub.s32 s8, s9;
	v62 =	vor.u32 $0x30, v0;
	v24 =	vcombine.low v6, v7;
	(pc) =	sbr.rel .LBB2_1-.Ltmp0, $4  }
0x2b: {  	s31 =	sand.u32 $0x1, s4;
	s5 =	sadd.s32 s5, s30;
	s7 =	sadd.s32 $0x7A1A00, s7;
	v11 =	vsel vm3, $0x3980, v4;
	v4 =	vsel vm0, $0x1B00, v9;
	v10 =	vsel vm4, v10, v13  }
0x2c: {  	s8 =	simm.s32 $0x3;
	s9 =	simm.s32 $0x4;
	p0 =	seq.s32 s31, $0x1;
	[tilespmem:$0x1FFE0] =	vst v62;
	v5 =	vsel vm1, $0x2A80, v12;
	v9 =	vsel vm2, $0x3A00, v11;
	v61 =	vcombine.low v10, v8  }
0x2d: {  	s6 =	sadd.s32 $0xA00, s6;
	s10 =	smax.u32 s10, $0x1;
	s8 =	simm.s32 @!p0 $0x4;
	[tilespmem:$0x1FFF0] =	vst v24;
	v5 =	vsel vm0, $0x2B00, v5;
	v9 =	vsel vm1, $0x3A80, v9  }
0x2e: {  	s9 =	simm.s32 @!p0 $0x3;
	p0 =	sne.s32 s18, $0x1F;
	s18 =	simm.s32 $0x0;
	v11 =	vor.u32 $0x10, v0;
	v7 =	vsel vm0, $0x3B00, v9;
	v10 =	vor.u32 $0x20, v0;
	[tilespmem:$0x1FFD0] =	vst v61  }
.LBB2_11:
0x2f: {  	_ =	swait.ge [sflag:s8], $0x4000  }
0x30: {  	[sflag:s8] =	ssyncset.done $0x0  }
0x31: {  	[sflag:s8] =	ssyncadd.s32 $0xFFFFC000  }
0x32: {  	_ =	swait.ge [sflag:s9], $0x4000  }
0x33: {  	s19 =	simm.s32 @!p0 $0x0;
	[sflag:s9] =	ssyncset.done $0x0  }
0x34: {  	s20 =	simm.s32 @!p0 $0x8000;
	s21 =	simm.s32 @!p0 $0x5;
	[sflag:s9] =	ssyncadd.s32 $0xFFFFC000  }
0x35: {  	[tilespmem:s20], [sflag:$0x5] =	stream.linear.gather @!p0 [hbm4b:s0+s19], $0x1000, $0x38;
	[tilespmem:$0x10000] =	vst v63  }
0x36: {  	_ =	swait.ge @!p0 [sflag:s21], $0x1000  }
0x37: {  	s18 =	sadd.s32 $0x1, s18;
	[sflag:s21] =	ssyncset.done @!p0 $0x0  }
0x38: {  	p1 =	sne.s32 s18, s10;
	[sflag:s21] =	ssyncadd.s32 @!p0 $0xFFFFF000  }
0x39: {  	[hbm4b:s7+s19] =	stream.linear.scatter @!p0 [tilespmem:s20], [sflag:$0x3], $0x1000, $0x38;
	[tilespmem:$0x10000] =	vst v63  }
.Ltmp1:
0x3a: {  	_ = 	snop;
	(pc) =	sbr.rel @!p1 .LBB2_12-.Ltmp1, $4  }
0x3b: {  	s19 =	simm.s32 @!p0 $0x3  }
0x3c: {  	_ =	swait.ge @!p0 [sflag:s19], $0x1000  }
0x3d: {  	[sflag:s19] =	ssyncset.done @!p0 $0x0  }
0x3e: {  	[sflag:s19] =	ssyncadd.s32 @!p0 $0xFFFFF000  }
.LBB2_1:
.Ltmp2:
0x3f: {  	(pc) =	sbr.rel .LBB2_2-.Ltmp2, $3  }
0x40: {  	_ =	sdelay $0x1  }
0x41: {  	[tilespmem:s2], [sflag:$0x1] =	stream.strided.gather [hbm4b:s5+s11], $0x4000, s12, s11, $0x38;
	[tilespmem:$0x10000] =	vst v63  }
0x42: {  	s19 =	simm.s32 $0x0  }
.LBB2_10:
0x43: {  	s19 =	sadd.s32 $0x1, s19  }
0x44: {  	p1 =	sne.s32 s19, $0x3E  }
.Ltmp3:
0x45: {  	_ = 	snop;
	(pc) =	sbr.rel @!p1 .LBB2_11-.Ltmp3, $1  }
0x46: {  	_ =	sdelay $0x3  }
.LBB2_2:
0x47: {  	s21 =	sshll.u32 s19, $0x1  }
0x48: {  	p2 =	sge.u32 s21, s4  }
.Ltmp4:
0x49: {  	_ = 	snop;
	(pc) =	sbr.rel @p2 .LBB2_6-.Ltmp4, $3  }
0x4a: {  	_ =	sdelay $0x1  }
0x4b: {  	s20 =	sshllo.u32 s19, $0x1  }
0x4c: {  	p1 =	sge.u32 s20, s4  }
0x4d: {  	s22 =	simm.s32 $0x0;
	s25 =	simm.s32 $0x1  }
0x4e: {  	s23 =	simm.s32 $0x2;
	s28 =	simm.s32 $0x5;
	s29 =	simm.s32 $0x7;
	v12 =	vadd.s32 s22, v0;
	v14 =	vadd.s32 s25, v0  }
0x4f: {  	s30 =	simm.s32 $0x3;
	v15 =	vadd.s32 s23, v0;
	v17 =	vadd.s32 s28, v0;
	v20 =	vadd.s32 s29, v0  }
0x50: {  	v21 =	vadd.s32 s30, v0;
	v13 =	vshll.u32 v12, $0x6;
	v18 =	vshll.u32 v14, $0x6  }
0x51: {  	v16 =	vshll.u32 v14, $0x3;
	v22 =	vshll.u32 v20, $0x3;
	v23 =	vand.u32 $0x7F, v12  }
0x52: {  	v3 =	vmovc v24;
	v24 =	vand.u32 $0x7F, v20;
	v12 =	vshll.u32 v12, $0x3;
	v30 =	vshll.u32 v21, $0x3  }
0x53: {  	v31 =	vshll.u32 v17, $0x6;
	v14 =	vand.u32 $0x7F, v14;
	v22 =	vand.u32 $0x400, v22  }
0x54: {  	s26 =	simm.s32 $0x4;
	p2 =	seq.s32 @!p1 s19, $0x0;
	v35 =	vand.u32 $0x7F, v17;
	v29 =	vand.u32 $0x3F80, v13;
	v22 =	vor.u32 v24, v22  }
0x55: {  	p2 =	por p2, p1;
	v13 =	vadd.s32 s26, v0;
	v26 =	vand.u32 $0x400, v12;
	v2 =	vor.u32 v7, v22  }
0x56: {  	s22 =	simm.s32 @!p2 $0x4;
	v25 =	vshll.u32 v13, $0x6;
	v24 =	vand.u32 $0x400, v16;
	v16 =	vshll.u32 v13, $0x3;
	[tilespmem:$0x1FFB0] =	vst v2  }
0x57: {  	s31 =	simm.s32 $0x6;
	s24 =	simm.s32 @!p1 $0x7A1400;
	v13 =	vand.u32 $0x7F, v13;
	v16 =	vand.u32 $0x400, v16;
	v39 =	vor.u32 v14, v24;
	_ =	swait.ge @!p2 [sflag:s22], $0x4000  }
0x58: {  	s23 =	sshll.u32 @!p1 s20, $0xD;
	s25 =	simm.s32 @!p1 $0x4000;
	v14 =	vshll.u32 v17, $0x3;
	v34 =	vor.u32 v13, v16;
	v16 =	vand.u32 $0x3F80, v25;
	[sflag:s22] =	ssyncset.done @!p2 $0x0  }
0x59: {  	v17 =	vor.u32 v1, v39;
	v25 =	vand.u32 $0x400, v30;
	v30 =	vor.u32 v23, v26;
	[sflag:s22] =	ssyncadd.s32 @!p2 $0xFFFFC000;
	s22 =	sadd.s32 @!p1 s23, s5;
	s23 =	simm.s32 @!p1 $0x800  }
0x5a: {  	v23 =	vor.u32 v1, v30;
	[tilespmem:s25], [sflag:$0x2] =	stream.strided.gather @!p1 [hbm4b:s22+s23], $0x4000, s24, s23, $0x38;
	[tilespmem:$0x10000] =	vst v63  }
0x5b: {  	v28 =	vadd.s32 s31, v0;
	v19 =	vshll.u32 v15, $0x6;
	_ =	swait.ge [sflag:s13], $0x4000  }
0x5c: {  	v32 =	vshll.u32 v28, $0x3;
	v33 =	vand.u32 $0x7F, v15;
	v36 =	vor.u32 v1, v34;
	[sflag:s13] =	ssyncset.done $0x0  }
0x5d: {  	v15 =	vshll.u32 v15, $0x3;
	v43 =	vand.u32 $0x3FC0, v18;
	v18 =	vshll.u32 v21, $0x6;
	[sflag:s13] =	ssyncadd.s32 $0xFFFFC000  }
0x5e: {  	v52 =	vand.u32 $0x3FC0, v18;
	v18 =	vor.u32 v0, v43;
	v24 =	vand.u32 $0x7F, v21;
	v21 =	vld.idx.msk [tilespmem:v17+s2+$0x0], $0xffff  }
0x5f: {  	v37 =	vand.u32 $0x400, v32;
	v54 =	vor.u32 v24, v25;
	v24 =	vor.u32 v27, v29;
	v23 =	vld.idx.msk [tilespmem:v23+s2+$0x0], $0xffff  }
0x60: {  	v40 =	vand.u32 $0x3F80, v19;
	v19 =	vshll.u32 v28, $0x6;
	v60 =	vor.u32 v4, v39  }
0x61: {  	v55 =	vand.u32 $0x3FC0, v31;
	v38 =	vor.u32 v27, v16;
	v63 =	vor.u32 v4, v30;
	v31 =	vld.idx.msk [tilespmem:v36+s2+$0x0], $0xffff  }
0x62: {  	v15 =	vand.u32 $0x400, v15;
	v46 =	vor.u32 v56, v29;
	v42 =	vor.u32 v4, v34  }
0x63: {  	v51 =	vand.u32 $0x3F80, v19;
	v44 =	vor.u32 v27, v40;
	v26 =	vor.u32 v33, v15;
	[tilespmem:v18+s14+$0x0] =	vst.idx.msk $0xffff, v21  }
0x64: {  	v41 =	vor.u32 v1, v22;
	v14 =	vand.u32 $0x400, v14;
	v8 =	vor.u32 v4, v26;
	[tilespmem:v24+s14+$0x0] =	vst.idx.msk $0xffff, v23  }
0x65: {  	v15 =	vshll.u32 v20, $0x6;
	v48 =	vor.u32 v35, v14;
	v23 =	vor.u32 v11, v43;
	v21 =	vld.idx.msk [tilespmem:v60+s2+$0x0], $0xffff;
	[tilespmem:$0x1FFC0] =	vst v8  }
0x66: {  	v14 =	vor.u32 v61, v40;
	v45 =	vor.u32 v1, v54;
	[tilespmem:v38+s14+$0x0] =	vst.idx.msk $0xffff, v31;
	v35 =	vld.idx.msk [tilespmem:v63+s2+$0x0], $0xffff  }
0x67: {  	v2 =	vor.u32 v56, v16;
	v50 =	vand.u32 $0x3FC0, v15;
	v36 =	vor.u32 v1, v26;
	v59 =	vld.idx.msk [tilespmem:v42+s2+$0x0], $0xffff  }
0x68: {  	v53 =	vor.u32 v5, v34;
	v15 =	vor.u32 v62, v50;
	v18 =	vand.u32 $0x7F, v28  }
0x69: {  	v62 =	vor.u32 v0, v50;
	v17 =	vor.u32 v61, v29;
	v58 =	vor.u32 v18, v37  }
0x6a: {  	v18 =	vor.u32 v61, v16;
	v60 =	vld.idx.msk [tilespmem:v41+s2+$0x0], $0xffff;
	v61 =	vor.u32 v1, v58;
	[tilespmem:v23+s14+$0x0] =	vst.idx.msk $0xffff, v21  }
0x6b: {  	v19 =	vor.u32 v27, v51;
	v8 =	vmov v27;
	v27 =	vld.idx.msk [tilespmem:v45+s2+$0x0], $0xffff;
	[tilespmem:v46+s14+$0x0] =	vst.idx.msk $0xffff, v35  }
0x6c: {  	v36 =	vld.idx.msk [tilespmem:v36+s2+$0x0], $0xffff;
	[tilespmem:v2+s14+$0x0] =	vst.idx.msk $0xffff, v59  }
0x6d: {  	v6 =	vor.u32 v4, v22;
	v12 =	vor.u32 v0, v52;
	v2 =	vld [tilespmem:$0x1FFE0]  }
0x6e: {  	v20 =	vor.u32 v56, v51;
	v47 =	vor.u32 v5, v39;
	v33 =	vor.u32 v11, v52;
	v35 =	vld.idx.msk [tilespmem:v53+s2+$0x0], $0xffff  }
0x6f: {  	v13 =	vor.u32 v7, v34;
	v25 =	vor.u32 v0, v55;
	[tilespmem:v62+s14+$0x0] =	vst.idx.msk $0xffff, v60;
	v53 =	vld.idx.msk [tilespmem:v61+s2+$0x0], $0xffff  }
0x70: {  	v49 =	vor.u32 v5, v30;
	v32 =	vor.u32 v4, v48;
	v34 =	vor.u32 v1, v48;
	v62 =	vld [tilespmem:$0x1FFE0]  }
0x71: {  	v24 =	vor.u32 v11, v55;
	v28 =	vor.u32 v10, v43;
	v61 =	vld [tilespmem:$0x1FFD0];
	[tilespmem:v44+s14+$0x0] =	vst.idx.msk $0xffff, v36  }
0x72: {  	v37 =	vor.u32 v5, v26;
	v31 =	vor.u32 v5, v58;
	v45 =	vor.u32 v2, v43;
	v2 =	vld [tilespmem:$0x1FFC0]  }
0x73: {  	v38 =	vor.u32 v5, v22;
	v63 =	vor.u32 v4, v54;
	v22 =	vor.u32 v7, v48;
	v41 =	vld.idx.msk [tilespmem:v47+s2+$0x0], $0xffff  }
0x74: {  	v9 =	vmovc v56;
	v48 =	vor.u32 v5, v48;
	v42 =	vor.u32 v11, v50;
	v21 =	vor.u32 v7, v58  }
0x75: {  	v23 =	vor.u32 v10, v55;
	v46 =	vor.u32 v56, v40;
	v56 =	vor.u32 v3, v29;
	v57 =	vld.idx.msk [tilespmem:v49+s2+$0x0], $0xffff  }
0x76: {  	v47 =	vor.u32 v7, v39;
	v29 =	vld.idx.msk [tilespmem:v34+s2+$0x0], $0xffff;
	v39 =	vor.u32 v7, v30;
	v34 =	vor.u32 v10, v52  }
0x77: {  	v49 =	vor.u32 v4, v58;
	v36 =	vor.u32 v3, v51;
	[tilespmem:v12+s14+$0x0] =	vst.idx.msk $0xffff, v27  }
0x78: {  	v44 =	vor.u32 v10, v50;
	[tilespmem:v28+s14+$0x0] =	vst.idx.msk $0xffff, v41;
	v28 =	vor.u32 v61, v51;
	v51 =	vld.idx.msk [tilespmem:v6+s2+$0x0], $0xffff  }
0x79: {  	v43 =	vor.u32 v3, v40;
	v40 =	vor.u32 v7, v54;
	v27 =	vor.u32 v62, v52;
	v52 =	vld.idx.msk [tilespmem:v63+s2+$0x0], $0xffff  }
0x7a: {  	s22 =	simm.s32 $0x8;
	[tilespmem:v56+s14+$0x0] =	vst.idx.msk $0xffff, v57;
	v41 =	vor.u32 v5, v54;
	v30 =	vor.u32 v62, v55;
	v50 =	vld.idx.msk [tilespmem:v2+s2+$0x0], $0xffff  }
.LBB2_4:
0x7b: {  	v12 =	vld [tilespmem:$0x1FFF0]  }
0x7c: {  	v54 =	vadd.s32 s22, v0;
	s23 =	sadd.s32 $0x1, s22;
	s24 =	sadd.s32 $0x2, s22;
	v26 =	vor.u32 v7, v26;
	[tilespmem:v25+s14+$0x0] =	vst.idx.msk $0xffff, v29;
	s31 =	sadd.s32 $0x7, s22;
	v47 =	vld.idx.msk [tilespmem:v47+s2+$0x0], $0xffff  }
0x7d: {  	s26 =	sadd.s32 $0x6, s22;
	v39 =	vld.idx.msk [tilespmem:v39+s2+$0x0], $0xffff;
	v25 =	vadd.s32 s23, v0;
	v56 =	vadd.s32 s24, v0;
	v58 =	vadd.s32 s31, v0  }
0x7e: {  	s30 =	sadd.s32 $0x5, s22;
	v2 =	vld [tilespmem:$0x1FFB0];
	v60 =	vadd.s32 s26, v0;
	v63 =	vshll.u32 v54, $0x3;
	v59 =	vshll.u32 v58, $0x3;
	[tilespmem:v19+s14+$0x0] =	vst.idx.msk $0xffff, v53  }
0x7f: {  	s25 =	sadd.s32 $0x3, s22;
	v32 =	vld.idx.msk [tilespmem:v32+s2+$0x0], $0xffff;
	v57 =	vshll.u32 v25, $0x3;
	v59 =	vand.u32 $0x400, v59;
	v19 =	vadd.s32 s30, v0;
	[tilespmem:v46+s14+$0x0] =	vst.idx.msk $0xffff, v50  }
0x80: {  	v53 =	vshll.u32 v25, $0x6;
	v46 =	vshll.u32 v56, $0x6;
	v50 =	vadd.s32 s25, v0;
	[tilespmem:v42+s14+$0x0] =	vst.idx.msk $0xffff, v51;
	v49 =	vld.idx.msk [tilespmem:v49+s2+$0x0], $0xffff  }
0x81: {  	v42 =	vand.u32 $0x7F, v54;
	v51 =	vand.u32 $0x7F, v58;
	[tilespmem:v33+s14+$0x0] =	vst.idx.msk $0xffff, v52;
	v25 =	vand.u32 $0x7F, v25;
	v37 =	vld.idx.msk [tilespmem:v37+s2+$0x0], $0xffff  }
0x82: {  	v55 =	vor.u32 v12, v16;
	v16 =	vshll.u32 v54, $0x6;
	v33 =	vld.idx.msk [tilespmem:v38+s2+$0x0], $0xffff;
	v38 =	vor.u32 v51, v59  }
0x83: {  	s29 =	sadd.s32 $0x4, s22;
	v54 =	vand.u32 $0x400, v57;
	[tilespmem:v45+s14+$0x0] =	vst.idx.msk $0xffff, v47;
	v53 =	vand.u32 $0x3FC0, v53;
	v29 =	vand.u32 $0x3F80, v16  }
0x84: {  	v41 =	vld.idx.msk [tilespmem:v41+s2+$0x0], $0xffff;
	v16 =	vadd.s32 s29, v0;
	v57 =	vor.u32 v1, v38;
	[tilespmem:v24+s14+$0x0] =	vst.idx.msk $0xffff, v32;
	v24 =	vand.u32 $0x400, v63  }
0x85: {  	[tilespmem:v17+s14+$0x0] =	vst.idx.msk $0xffff, v39;
	v51 =	vor.u32 v7, v38;
	v63 =	vshll.u32 v60, $0x3;
	v45 =	vor.u32 v25, v54  }
0x86: {  	v52 =	vshll.u32 v16, $0x6;
	v59 =	vshll.u32 v16, $0x3;
	v16 =	vand.u32 $0x7F, v16;
	[tilespmem:v20+s14+$0x0] =	vst.idx.msk $0xffff, v49  }
0x87: {  	v25 =	vor.u32 v1, v45;
	v6 =	vor.u32 v12, v29;
	v32 =	vand.u32 $0x400, v59;
	[tilespmem:v43+s14+$0x0] =	vst.idx.msk $0xffff, v37  }
0x88: {  	v20 =	vshll.u32 v50, $0x3;
	v49 =	vshll.u32 v19, $0x6;
	v37 =	vand.u32 $0x7F, v56;
	[tilespmem:v44+s14+$0x0] =	vst.idx.msk $0xffff, v33;
	v31 =	vld.idx.msk [tilespmem:v31+s2+$0x0], $0xffff  }
0x89: {  	v48 =	vld.idx.msk [tilespmem:v48+s2+$0x0], $0xffff;
	v43 =	vor.u32 v16, v32;
	v32 =	vand.u32 $0x7F, v19;
	v16 =	vand.u32 $0x3F80, v52;
	[tilespmem:v55+s14+$0x0] =	vst.idx.msk $0xffff, v35  }
0x8a: {  	v44 =	vand.u32 $0x400, v63;
	v19 =	vshll.u32 v19, $0x3;
	[tilespmem:v34+s14+$0x0] =	vst.idx.msk $0xffff, v41;
	v41 =	vor.u32 v4, v38;
	v35 =	vld.idx.msk [tilespmem:v2+s2+$0x0], $0xffff  }
0x8b: {  	v63 =	vand.u32 $0x7F, v50;
	v38 =	vor.u32 v5, v38;
	v33 =	vor.u32 v1, v43;
	v26 =	vld.idx.msk [tilespmem:v26+s2+$0x0], $0xffff  }
0x8c: {  	v47 =	vor.u32 v8, v16;
	v59 =	vor.u32 v7, v43;
	v20 =	vand.u32 $0x400, v20;
	v40 =	vld.idx.msk [tilespmem:v40+s2+$0x0], $0xffff  }
0x8d: {  	v54 =	vor.u32 v63, v20;
	v20 =	vld.idx.msk [tilespmem:v13+s2+$0x0], $0xffff;
	[tilespmem:v36+s14+$0x0] =	vst.idx.msk $0xffff, v31;
	v36 =	vor.u32 v42, v24  }
0x8e: {  	v52 =	vshll.u32 v56, $0x3;
	v2 =	vmov v51;
	[tilespmem:v23+s14+$0x0] =	vst.idx.msk $0xffff, v48;
	v21 =	vld.idx.msk [tilespmem:v21+s2+$0x0], $0xffff;
	v23 =	vor.u32 v1, v36  }
0x8f: {  	v51 =	vand.u32 $0x3F80, v46;
	v34 =	vor.u32 v9, v16;
	[tilespmem:$0x1FFB0] =	vst v2;
	v17 =	vld.idx.msk [tilespmem:v22+s2+$0x0], $0xffff;
	v22 =	vor.u32 v4, v45  }
0x90: {  	v19 =	vand.u32 $0x400, v19;
	v63 =	vor.u32 v1, v54;
	v24 =	vshll.u32 v60, $0x6;
	v33 =	vld.idx.msk [tilespmem:v33+s2+$0x0], $0xffff;
	[tilespmem:v14+s14+$0x0] =	vst.idx.msk $0xffff, v26  }
0x91: {  	v31 =	vor.u32 v4, v43;
	[tilespmem:v27+s14+$0x0] =	vst.idx.msk $0xffff, v40;
	v55 =	vand.u32 $0x3F80, v24;
	v24 =	vor.u32 v61, v51  }
0x92: {  	v26 =	vand.u32 $0x400, v52;
	v27 =	vor.u32 v0, v53;
	[tilespmem:v15+s14+$0x0] =	vst.idx.msk $0xffff, v35;
	v14 =	vmov v24;
	v24 =	vld.idx.msk [tilespmem:v25+s2+$0x0], $0xffff  }
0x93: {  	v26 =	vor.u32 v37, v26;
	v23 =	vld.idx.msk [tilespmem:v23+s2+$0x0], $0xffff;
	[tilespmem:v28+s14+$0x0] =	vst.idx.msk $0xffff, v21;
	v21 =	vor.u32 v8, v29  }
0x94: {  	v50 =	vshll.u32 v50, $0x6;
	v48 =	vor.u32 v32, v19;
	[tilespmem:v18+s14+$0x0] =	vst.idx.msk $0xffff, v20;
	v39 =	vor.u32 v1, v26  }
0x95: {  	v56 =	vand.u32 $0x3FC0, v49;
	v52 =	vand.u32 $0x3FC0, v50;
	v35 =	vor.u32 v1, v48;
	v50 =	vld.idx.msk [tilespmem:v57+s2+$0x0], $0xffff;
	[tilespmem:v47+s14+$0x0] =	vst.idx.msk $0xffff, v33  }
0x96: {  	v46 =	vor.u32 v5, v45;
	[tilespmem:v30+s14+$0x0] =	vst.idx.msk $0xffff, v17;
	v30 =	vor.u32 v4, v36;
	v49 =	vld.idx.msk [tilespmem:v31+s2+$0x0], $0xffff  }
0x97: {  	v28 =	vshll.u32 v58, $0x6;
	v58 =	vld.idx.msk [tilespmem:v63+s2+$0x0], $0xffff;
	[tilespmem:v27+s14+$0x0] =	vst.idx.msk $0xffff, v24;
	v27 =	vor.u32 v5, v43  }
0x98: {  	v2 =	vor.u32 v10, v53;
	[tilespmem:v21+s14+$0x0] =	vst.idx.msk $0xffff, v23;
	v21 =	vld.idx.msk [tilespmem:v22+s2+$0x0], $0xffff;
	v23 =	vor.u32 v11, v53  }
0x99: {  	v32 =	vor.u32 v4, v48;
	v18 =	vor.u32 v61, v16;
	v17 =	vor.u32 v61, v29;
	v61 =	vld.idx.msk [tilespmem:v39+s2+$0x0], $0xffff  }
0x9a: {  	v3 =	vor.u32 v4, v54;
	v57 =	vor.u32 v8, v51;
	v43 =	vor.u32 v9, v29;
	v29 =	vld.idx.msk [tilespmem:v35+s2+$0x0], $0xffff  }
0x9b: {  	v13 =	vmov v59;
	v60 =	vand.u32 $0x7F, v60;
	v40 =	vor.u32 v0, v52;
	[tilespmem:v34+s14+$0x0] =	vst.idx.msk $0xffff, v49;
	v22 =	vld.idx.msk [tilespmem:v30+s2+$0x0], $0xffff  }
0x9c: {  	v44 =	vor.u32 v60, v44;
	v19 =	vor.u32 v8, v55;
	v47 =	vor.u32 v5, v36;
	v35 =	vld.idx.msk [tilespmem:v27+s2+$0x0], $0xffff  }
0x9d: {  	v25 =	vor.u32 v0, v56;
	v20 =	vor.u32 v9, v55;
	v28 =	vand.u32 $0x3FC0, v28;
	v27 =	vld [tilespmem:$0x1FFE0];
	[tilespmem:v23+s14+$0x0] =	vst.idx.msk $0xffff, v21  }
0x9e: {  	v37 =	vor.u32 v5, v26;
	v59 =	vor.u32 v1, v44;
	v15 =	vor.u32 v62, v28;
	v62 =	vld.idx.msk [tilespmem:v46+s2+$0x0], $0xffff  }
0x9f: {  	v33 =	vor.u32 v11, v52;
	v60 =	vor.u32 v0, v28;
	[tilespmem:v57+s14+$0x0] =	vst.idx.msk $0xffff, v61  }
0xa0: {  	v31 =	vor.u32 v5, v44;
	v30 =	vor.u32 v4, v26;
	v61 =	vld [tilespmem:$0x1FFD0];
	[tilespmem:v43+s14+$0x0] =	vst.idx.msk $0xffff, v22  }
0xa1: {  	v24 =	vor.u32 v11, v56;
	v39 =	vor.u32 v7, v36;
	v36 =	vor.u32 v12, v55;
	v63 =	vld.idx.msk [tilespmem:v47+s2+$0x0], $0xffff  }
0xa2: {  	[tilespmem:v40+s14+$0x0] =	vst.idx.msk $0xffff, v58;
	v47 =	vor.u32 v7, v45;
	v45 =	vor.u32 v27, v53;
	v27 =	vld [tilespmem:$0x1FFE0]  }
0xa3: {  	p2 =	slt.u32 s22, $0xF8;
	v42 =	vor.u32 v11, v28;
	v34 =	vor.u32 v10, v52;
	[tilespmem:v2+s14+$0x0] =	vst.idx.msk $0xffff, v62;
	v62 =	vld [tilespmem:$0x1FFE0]  }
.Ltmp5:
0xa4: {  	v49 =	vor.u32 v4, v44;
	v40 =	vor.u32 v7, v54;
	[tilespmem:v60+s14+$0x0] =	vst.idx.msk $0xffff, v50;
	(pc) =	sbr.rel @p2 .LBB2_4-.Ltmp5, $4  }
0xa5: {  	v21 =	vor.u32 v7, v44;
	v23 =	vor.u32 v10, v56;
	v44 =	vor.u32 v10, v28;
	v50 =	vld.idx.msk [tilespmem:v30+s2+$0x0], $0xffff  }
0xa6: {  	v46 =	vor.u32 v9, v51;
	v22 =	vor.u32 v7, v48;
	v43 =	vor.u32 v12, v51;
	v51 =	vld.idx.msk [tilespmem:v41+s2+$0x0], $0xffff  }
0xa7: {  	v48 =	vor.u32 v5, v48;
	v28 =	vor.u32 v61, v55;
	v41 =	vor.u32 v5, v54;
	v53 =	vld.idx.msk [tilespmem:v59+s2+$0x0], $0xffff  }
0xa8: {  	s22 =	sadd.s32 $0x8, s22;
	v27 =	vor.u32 v27, v52;
	[tilespmem:v6+s14+$0x0] =	vst.idx.msk $0xffff, v63;
	v52 =	vld.idx.msk [tilespmem:v3+s2+$0x0], $0xffff;
	v30 =	vor.u32 v62, v56  }
0xa9: {  	_ =	sdelay $0x3  }
0xaa: {  	[tilespmem:v25+s14+$0x0] =	vst.idx.msk $0xffff, v29;
	v6 =	vld.idx.msk [tilespmem:v47+s2+$0x0], $0xffff  }
0xab: {  	v3 =	vld.idx.msk [tilespmem:v32+s2+$0x0], $0xffff;
	[tilespmem:v19+s14+$0x0] =	vst.idx.msk $0xffff, v53  }
0xac: {  	[tilespmem:v46+s14+$0x0] =	vst.idx.msk $0xffff, v50;
	v2 =	vld.idx.msk [tilespmem:v49+s2+$0x0], $0xffff  }
0xad: {  	[tilespmem:v42+s14+$0x0] =	vst.idx.msk $0xffff, v51  }
0xae: {  	[tilespmem:v33+s14+$0x0] =	vst.idx.msk $0xffff, v52  }
0xaf: {  	[tilespmem:v45+s14+$0x0] =	vst.idx.msk $0xffff, v6  }
0xb0: {  	v59 =	vld.idx.msk [tilespmem:v37+s2+$0x0], $0xffff;
	[tilespmem:v24+s14+$0x0] =	vst.idx.msk $0xffff, v3  }
0xb1: {  	v25 =	vld.idx.msk [tilespmem:v38+s2+$0x0], $0xffff;
	[tilespmem:v20+s14+$0x0] =	vst.idx.msk $0xffff, v2  }
0xb2: {  	v24 =	vld [tilespmem:$0x1FFF0]  }
0xb3: {  	v29 =	vld.idx.msk [tilespmem:v41+s2+$0x0], $0xffff  }
0xb4: {  	v60 =	vld.idx.msk [tilespmem:v39+s2+$0x0], $0xffff  }
0xb5: {  	v3 =	vld.idx.msk [tilespmem:v48+s2+$0x0], $0xffff  }
0xb6: {  	v2 =	vld.idx.msk [tilespmem:v31+s2+$0x0], $0xffff;
	[tilespmem:v43+s14+$0x0] =	vst.idx.msk $0xffff, v59  }
0xb7: {  	[tilespmem:v44+s14+$0x0] =	vst.idx.msk $0xffff, v25;
	v6 =	vor.u32 v24, v16  }
0xb8: {  	[tilespmem:v34+s14+$0x0] =	vst.idx.msk $0xffff, v29  }
0xb9: {  	[tilespmem:v17+s14+$0x0] =	vst.idx.msk $0xffff, v60  }
0xba: {  	[tilespmem:v23+s14+$0x0] =	vst.idx.msk $0xffff, v3  }
0xbb: {  	v26 =	vor.u32 v7, v26;
	[tilespmem:v36+s14+$0x0] =	vst.idx.msk $0xffff, v2  }
0xbc: {  	[tilespmem:v6+s14+$0x0] =	vst.idx.msk $0xffff, v35  }
0xbd: {  	v12 =	vld [tilespmem:$0x1FFB0];
	_ =	sdelay $0x2  }
0xbe: {  	v19 =	vld.idx.msk [tilespmem:v26+s2+$0x0], $0xffff  }
0xbf: {  	v63 =	vld.idx.msk [tilespmem:v40+s2+$0x0], $0xffff  }
0xc0: {  	v2 =	vld.idx.msk [tilespmem:v21+s2+$0x0], $0xffff  }
0xc1: {  	v3 =	vld.idx.msk [tilespmem:v22+s2+$0x0], $0xffff  }
0xc2: {  	v6 =	vld.idx.msk [tilespmem:v13+s2+$0x0], $0xffff  }
0xc3: {  	[tilespmem:v14+s14+$0x0] =	vst.idx.msk $0xffff, v19;
	v12 =	vld.idx.msk [tilespmem:v12+s2+$0x0], $0xffff  }
0xc4: {  	[tilespmem:v27+s14+$0x0] =	vst.idx.msk $0xffff, v63  }
0xc5: {  	[tilespmem:v28+s14+$0x0] =	vst.idx.msk $0xffff, v2  }
0xc6: {  	[tilespmem:v30+s14+$0x0] =	vst.idx.msk $0xffff, v3  }
0xc7: {  	s22 =	sshll.u32 s19, $0x11;
	[tilespmem:v18+s14+$0x0] =	vst.idx.msk $0xffff, v6  }
0xc8: {  	s22 =	sadd.s32 s22, s6;
	[tilespmem:v15+s14+$0x0] =	vst.idx.msk $0xffff, v12  }
0xc9: {  	v56 =	vmov v9;
	v27 =	vmov v8;
	[hbm4b:s22+s2] =	stream.linear.scatter [tilespmem:s14], [sflag:$0x3], $0x4000, $0x38;
	[tilespmem:$0x10000] =	vst v63  }
.LBB2_6:
.Ltmp6:
0xca: {  	(pc) =	sbr.rel @p1 .LBB2_10-.Ltmp6, $1  }
0xcb: {  	_ =	sdelay $0x3  }
0xcc: {  	s22 =	simm.s32 $0x0  }
0xcd: {  	s25 =	simm.s32 $0x1;
	s23 =	simm.s32 $0x2;
	s28 =	simm.s32 $0x5;
	v2 =	vadd.s32 s22, v0  }
0xce: {  	s29 =	simm.s32 $0x7;
	s30 =	simm.s32 $0x3;
	s31 =	simm.s32 $0x6;
	v6 =	vadd.s32 s25, v0;
	v14 =	vadd.s32 s23, v0;
	v13 =	vadd.s32 s28, v0  }
0xcf: {  	v17 =	vadd.s32 s29, v0;
	v20 =	vadd.s32 s30, v0;
	v23 =	vadd.s32 s31, v0  }
0xd0: {  	v3 =	vshll.u32 v2, $0x6;
	v15 =	vshll.u32 v6, $0x6;
	v12 =	vshll.u32 v6, $0x3  }
0xd1: {  	v18 =	vshll.u32 v14, $0x6;
	v16 =	vshll.u32 v17, $0x3;
	v19 =	vand.u32 $0x7F, v2  }
0xd2: {  	v21 =	vand.u32 $0x7F, v17;
	v2 =	vshll.u32 v2, $0x3;
	v16 =	vand.u32 $0x400, v16  }
0xd3: {  	v44 =	vmovc v24;
	s21 =	sadd.s32 $0x2, s21;
	v24 =	vshll.u32 v20, $0x3;
	v6 =	vand.u32 $0x7F, v6;
	v28 =	vor.u32 v21, v16  }
0xd4: {  	p1 =	sge.u32 s21, s4;
	v26 =	vshll.u32 v23, $0x3;
	v30 =	vand.u32 $0x7F, v14;
	v8 =	vor.u32 v7, v28  }
0xd5: {  	s26 =	simm.s32 $0x4;
	v31 =	vand.u32 $0x7F, v13;
	s22 =	simm.s32 @!p1 $0x3;
	v34 =	vshll.u32 v14, $0x3;
	v14 =	vand.u32 $0x7F, v20;
	[tilespmem:$0x1FF60] =	vst v8  }
0xd6: {  	s21 =	sshll.u32 @!p1 s21, $0xD;
	v29 =	vand.u32 $0x3F80, v3;
	v3 =	vadd.s32 s26, v0;
	v21 =	vand.u32 $0x400, v12;
	_ =	swait.ge @!p1 [sflag:s22], $0x4000  }
0xd7: {  	s23 =	simm.s32 @!p1 $0x7A1400;
	s24 =	simm.s32 @!p1 $0x0;
	v2 =	vand.u32 $0x400, v2;
	v6 =	vor.u32 v6, v21;
	v8 =	vor.u32 v4, v28;
	[sflag:s22] =	ssyncset.done @!p1 $0x0  }
0xd8: {  	s21 =	sadd.s32 @!p1 s21, s5;
	v24 =	vand.u32 $0x400, v24;
	v36 =	vand.u32 $0x3F80, v18;
	v33 =	vor.u32 v1, v6;
	[tilespmem:$0x1FFA0] =	vst v8;
	[sflag:s22] =	ssyncadd.s32 @!p1 $0xFFFFC000;
	s22 =	simm.s32 @!p1 $0x800  }
0xd9: {  	v22 =	vshll.u32 v3, $0x6;
	v16 =	vshll.u32 v3, $0x3;
	v2 =	vor.u32 v19, v2;
	[tilespmem:s24], [sflag:$0x1] =	stream.strided.gather @!p1 [hbm4b:s21+s22], $0x4000, s23, s22, $0x38;
	[tilespmem:$0x10000] =	vst v63  }
0xda: {  	v3 =	vand.u32 $0x7F, v3;
	v16 =	vand.u32 $0x400, v16;
	v35 =	vor.u32 v1, v2;
	_ =	swait.ge [sflag:s15], $0x4000  }
0xdb: {  	v18 =	vshll.u32 v23, $0x6;
	v40 =	vand.u32 $0x3FC0, v15;
	v3 =	vor.u32 v3, v16;
	[sflag:s15] =	ssyncset.done $0x0  }
0xdc: {  	v15 =	vshll.u32 v20, $0x6;
	v51 =	vand.u32 $0x3F80, v18;
	v32 =	vor.u32 v1, v3;
	[sflag:s15] =	ssyncadd.s32 $0xFFFFC000  }
0xdd: {  	v54 =	vor.u32 v14, v24;
	v52 =	vand.u32 $0x3FC0, v15;
	v15 =	vor.u32 v0, v40;
	v24 =	vld.idx.msk [tilespmem:v33+s16+$0x0], $0xffff  }
0xde: {  	v63 =	vor.u32 v27, v29;
	v16 =	vand.u32 $0x3F80, v22;
	v22 =	vand.u32 $0x400, v26  }
0xdf: {  	v26 =	vshll.u32 v13, $0x3;
	v18 =	vor.u32 v4, v6;
	v8 =	vor.u32 v56, v16;
	v60 =	vld.idx.msk [tilespmem:v35+s16+$0x0], $0xffff  }
0xe0: {  	v38 =	vor.u32 v4, v2;
	v19 =	vand.u32 $0x400, v26;
	[tilespmem:$0x1FF70] =	vst v8;
	v8 =	vor.u32 v0, v52  }
0xe1: {  	v25 =	vshll.u32 v13, $0x6;
	v13 =	vor.u32 v7, v3;
	v48 =	vor.u32 v31, v19;
	v37 =	vld.idx.msk [tilespmem:v32+s16+$0x0], $0xffff;
	[tilespmem:$0x1FF90] =	vst v8  }
0xe2: {  	v31 =	vor.u32 v4, v3;
	v3 =	vor.u32 v5, v3;
	[tilespmem:v15+s17+$0x0] =	vst.idx.msk $0xffff, v24  }
0xe3: {  	v21 =	vor.u32 v27, v16;
	[tilespmem:$0x1FF80] =	vst v3  }
0xe4: {  	v45 =	vor.u32 v11, v40;
	[tilespmem:v63+s17+$0x0] =	vst.idx.msk $0xffff, v60;
	v35 =	vld.idx.msk [tilespmem:v18+s16+$0x0], $0xffff  }
0xe5: {  	v47 =	vor.u32 v56, v29;
	v46 =	vld.idx.msk [tilespmem:v38+s16+$0x0], $0xffff;
	_ =	sdelay $0x2  }
0xe6: {  	[tilespmem:v21+s17+$0x0] =	vst.idx.msk $0xffff, v37  }
0xe7: {  	[tilespmem:v45+s17+$0x0] =	vst.idx.msk $0xffff, v35  }
0xe8: {  	[tilespmem:v47+s17+$0x0] =	vst.idx.msk $0xffff, v46  }
0xe9: {  	v49 =	vor.u32 v5, v6;
	v47 =	vor.u32 v7, v6;
	v6 =	vld [tilespmem:$0x1FF70]  }
0xea: {  	v20 =	vand.u32 $0x400, v34  }
0xeb: {  	v26 =	vor.u32 v30, v20  }
0xec: {  	v39 =	vor.u32 v1, v26;
	v59 =	vld.idx.msk [tilespmem:v31+s16+$0x0], $0xffff;
	_ =	sdelay $0x4  }
0xed: {  	v41 =	vor.u32 v1, v28;
	v38 =	vor.u32 v5, v28;
	v28 =	vld.idx.msk [tilespmem:v39+s16+$0x0], $0xffff;
	[tilespmem:v6+s17+$0x0] =	vst.idx.msk $0xffff, v59  }
0xee: {  	v53 =	vor.u32 v5, v2;
	v39 =	vor.u32 v7, v2;
	v2 =	vld [tilespmem:$0x1FF80];
	_ =	sdelay $0x2  }
0xef: {  	v30 =	vshll.u32 v17, $0x6  }
0xf0: {  	v23 =	vand.u32 $0x7F, v23;
	v14 =	vor.u32 v61, v36;
	v30 =	vand.u32 $0x3FC0, v30  }
0xf1: {  	v17 =	vor.u32 v61, v29;
	v58 =	vor.u32 v23, v22;
	v15 =	vor.u32 v62, v30  }
0xf2: {  	v62 =	vor.u32 v0, v30;
	v18 =	vor.u32 v61, v16;
	v60 =	vld.idx.msk [tilespmem:v41+s16+$0x0], $0xffff;
	v61 =	vor.u32 v1, v58;
	_ =	sdelay $0x1  }
0xf3: {  	v12 =	vor.u32 v27, v36;
	v35 =	vld.idx.msk [tilespmem:v2+s16+$0x0], $0xffff  }
0xf4: {  	v2 =	vld [tilespmem:$0x1FFE0]  }
0xf5: {  	v57 =	vld.idx.msk [tilespmem:v53+s16+$0x0], $0xffff  }
0xf6: {  	v53 =	vld.idx.msk [tilespmem:v61+s16+$0x0], $0xffff;
	[tilespmem:v62+s17+$0x0] =	vst.idx.msk $0xffff, v60  }
0xf7: {  	v43 =	vor.u32 v1, v54;
	v62 =	vld [tilespmem:$0x1FFE0]  }
0xf8: {  	v61 =	vld [tilespmem:$0x1FFD0];
	[tilespmem:v12+s17+$0x0] =	vst.idx.msk $0xffff, v28  }
0xf9: {  	v45 =	vor.u32 v2, v40;
	v2 =	vld [tilespmem:$0x1FF90];
	_ =	sdelay $0x1  }
0xfa: {  	v3 =	vor.u32 v10, v40;
	v41 =	vld.idx.msk [tilespmem:v49+s16+$0x0], $0xffff  }
0xfb: {  	v19 =	vor.u32 v27, v51;
	v8 =	vmov v27;
	v27 =	vld.idx.msk [tilespmem:v43+s16+$0x0], $0xffff;
	_ =	sdelay $0x3  }
0xfc: {  	v55 =	vand.u32 $0x3FC0, v25;
	[tilespmem:v3+s17+$0x0] =	vst.idx.msk $0xffff, v41  }
0xfd: {  	v25 =	vor.u32 v0, v55;
	[tilespmem:v2+s17+$0x0] =	vst.idx.msk $0xffff, v27  }
0xfe: {  	v20 =	vor.u32 v56, v51;
	v23 =	vor.u32 v10, v55;
	v34 =	vor.u32 v1, v48;
	v2 =	vld [tilespmem:$0x1FFA0]  }
0xff: {  	v50 =	vor.u32 v4, v26;
	v42 =	vor.u32 v11, v30;
	v22 =	vor.u32 v7, v48  }
0x100: {  	v33 =	vor.u32 v11, v52;
	v32 =	vor.u32 v4, v48;
	v63 =	vor.u32 v4, v54  }
0x101: {  	v9 =	vmovc v56;
	v48 =	vor.u32 v5, v48;
	v46 =	vor.u32 v56, v36;
	v56 =	vor.u32 v44, v29  }
0x102: {  	v24 =	vor.u32 v11, v55;
	v37 =	vor.u32 v5, v26;
	v21 =	vor.u32 v7, v58  }
0x103: {  	v43 =	vor.u32 v44, v36;
	v31 =	vor.u32 v5, v58;
	v29 =	vld.idx.msk [tilespmem:v34+s16+$0x0], $0xffff;
	v34 =	vor.u32 v10, v52  }
0x104: {  	v49 =	vor.u32 v4, v58;
	v36 =	vor.u32 v44, v51;
	v44 =	vor.u32 v10, v30;
	v50 =	vld.idx.msk [tilespmem:v50+s16+$0x0], $0xffff  }
0x105: {  	v40 =	vor.u32 v7, v54;
	v41 =	vor.u32 v5, v54;
	v27 =	vor.u32 v62, v52;
	v52 =	vld.idx.msk [tilespmem:v63+s16+$0x0], $0xffff  }
0x106: {  	s21 =	simm.s32 $0x8;
	v28 =	vor.u32 v61, v51;
	v30 =	vor.u32 v62, v55;
	[tilespmem:v56+s17+$0x0] =	vst.idx.msk $0xffff, v57;
	v51 =	vld.idx.msk [tilespmem:v2+s16+$0x0], $0xffff  }
.LBB2_8:
0x107: {  	_ =	sdelay $0x1  }
0x108: {  	v2 =	vadd.s32 s21, v0;
	s23 =	sadd.s32 $0x2, s21;
	v12 =	vld [tilespmem:$0x1FFF0];
	s31 =	sadd.s32 $0x7, s21  }
0x109: {  	v3 =	vor.u32 v7, v26;
	s25 =	sadd.s32 $0x6, s21;
	v47 =	vld.idx.msk [tilespmem:v47+s16+$0x0], $0xffff;
	[tilespmem:v33+s17+$0x0] =	vst.idx.msk $0xffff, v52;
	v26 =	vadd.s32 s23, v0;
	v55 =	vadd.s32 s31, v0  }
0x10a: {  	s22 =	sadd.s32 $0x1, s21;
	v57 =	vadd.s32 s25, v0;
	v41 =	vld.idx.msk [tilespmem:v41+s16+$0x0], $0xffff;
	v56 =	vshll.u32 v55, $0x3;
	v63 =	vand.u32 $0x7F, v55;
	[tilespmem:v25+s17+$0x0] =	vst.idx.msk $0xffff, v29  }
0x10b: {  	s24 =	sadd.s32 $0x3, s21;
	s30 =	sadd.s32 $0x5, s21;
	v60 =	vshll.u32 v57, $0x3;
	v56 =	vand.u32 $0x400, v56;
	v25 =	vadd.s32 s22, v0;
	[tilespmem:v19+s17+$0x0] =	vst.idx.msk $0xffff, v53;
	v32 =	vld.idx.msk [tilespmem:v32+s16+$0x0], $0xffff  }
0x10c: {  	v19 =	vadd.s32 s30, v0;
	[tilespmem:v46+s17+$0x0] =	vst.idx.msk $0xffff, v50;
	v46 =	vshll.u32 v26, $0x6;
	v50 =	vadd.s32 s24, v0;
	v49 =	vld.idx.msk [tilespmem:v49+s16+$0x0], $0xffff  }
0x10d: {  	[tilespmem:v42+s17+$0x0] =	vst.idx.msk $0xffff, v51;
	v42 =	vand.u32 $0x7F, v2;
	v6 =	vor.u32 v12, v16;
	v16 =	vshll.u32 v2, $0x6;
	v37 =	vld.idx.msk [tilespmem:v37+s16+$0x0], $0xffff  }
0x10e: {  	v53 =	vshll.u32 v25, $0x6;
	v54 =	vshll.u32 v25, $0x3;
	v33 =	vld.idx.msk [tilespmem:v38+s16+$0x0], $0xffff;
	v38 =	vor.u32 v63, v56  }
0x10f: {  	s29 =	sadd.s32 $0x4, s21;
	v2 =	vshll.u32 v2, $0x3;
	[tilespmem:v45+s17+$0x0] =	vst.idx.msk $0xffff, v47;
	v25 =	vand.u32 $0x7F, v25;
	v29 =	vand.u32 $0x3F80, v16  }
0x110: {  	v16 =	vadd.s32 s29, v0;
	v58 =	vand.u32 $0x400, v54;
	v54 =	vor.u32 v1, v38;
	[tilespmem:v24+s17+$0x0] =	vst.idx.msk $0xffff, v32  }
0x111: {  	v39 =	vld.idx.msk [tilespmem:v39+s16+$0x0], $0xffff;
	v2 =	vand.u32 $0x400, v2;
	v59 =	vor.u32 v7, v38;
	v24 =	vshll.u32 v16, $0x3;
	[tilespmem:v20+s17+$0x0] =	vst.idx.msk $0xffff, v49  }
0x112: {  	[tilespmem:v34+s17+$0x0] =	vst.idx.msk $0xffff, v41;
	v52 =	vshll.u32 v16, $0x6;
	v16 =	vand.u32 $0x7F, v16;
	v31 =	vld.idx.msk [tilespmem:v31+s16+$0x0], $0xffff;
	v24 =	vand.u32 $0x400, v24  }
0x113: {  	v41 =	vor.u32 v4, v38;
	[tilespmem:v43+s17+$0x0] =	vst.idx.msk $0xffff, v37;
	v48 =	vld.idx.msk [tilespmem:v48+s16+$0x0], $0xffff;
	v24 =	vor.u32 v16, v24  }
0x114: {  	v40 =	vld.idx.msk [tilespmem:v40+s16+$0x0], $0xffff;
	v2 =	vor.u32 v42, v2;
	[tilespmem:v44+s17+$0x0] =	vst.idx.msk $0xffff, v33;
	v33 =	vor.u32 v1, v24  }
0x115: {  	v20 =	vshll.u32 v50, $0x3;
	v44 =	vand.u32 $0x400, v60;
	[tilespmem:v6+s17+$0x0] =	vst.idx.msk $0xffff, v35;
	v6 =	vld [tilespmem:$0x1FF60];
	v35 =	vor.u32 v25, v58  }
0x116: {  	[tilespmem:v17+s17+$0x0] =	vst.idx.msk $0xffff, v39;
	v60 =	vand.u32 $0x7F, v50;
	v25 =	vor.u32 v1, v35;
	v3 =	vld.idx.msk [tilespmem:v3+s16+$0x0], $0xffff;
	v20 =	vand.u32 $0x400, v20  }
0x117: {  	v63 =	vand.u32 $0x7F, v19;
	v49 =	vshll.u32 v19, $0x6;
	v56 =	vor.u32 v60, v20;
	v20 =	vld.idx.msk [tilespmem:v13+s16+$0x0], $0xffff;
	[tilespmem:v36+s17+$0x0] =	vst.idx.msk $0xffff, v31  }
0x118: {  	v19 =	vshll.u32 v19, $0x3;
	v16 =	vand.u32 $0x3F80, v52;
	[tilespmem:v23+s17+$0x0] =	vst.idx.msk $0xffff, v48;
	v23 =	vor.u32 v1, v2;
	v21 =	vld.idx.msk [tilespmem:v21+s16+$0x0], $0xffff  }
0x119: {  	v38 =	vor.u32 v5, v38;
	v19 =	vand.u32 $0x400, v19;
	v45 =	vor.u32 v8, v16;
	v33 =	vld.idx.msk [tilespmem:v33+s16+$0x0], $0xffff  }
0x11a: {  	v43 =	vand.u32 $0x3FC0, v53;
	[tilespmem:v27+s17+$0x0] =	vst.idx.msk $0xffff, v40;
	v48 =	vor.u32 v63, v19;
	v63 =	vor.u32 v4, v24  }
0x11b: {  	v37 =	vand.u32 $0x7F, v26;
	v26 =	vshll.u32 v26, $0x3;
	v27 =	vor.u32 v0, v43;
	[tilespmem:v14+s17+$0x0] =	vst.idx.msk $0xffff, v3;
	v3 =	vld.idx.msk [tilespmem:v25+s16+$0x0], $0xffff  }
0x11c: {  	v53 =	vshll.u32 v50, $0x6;
	v26 =	vand.u32 $0x400, v26;
	v47 =	vor.u32 v7, v35;
	v17 =	vld.idx.msk [tilespmem:v22+s16+$0x0], $0xffff;
	[tilespmem:v18+s17+$0x0] =	vst.idx.msk $0xffff, v20  }
0x11d: {  	v22 =	vor.u32 v4, v35;
	v23 =	vld.idx.msk [tilespmem:v23+s16+$0x0], $0xffff;
	[tilespmem:v28+s17+$0x0] =	vst.idx.msk $0xffff, v21;
	v21 =	vor.u32 v8, v29  }
0x11e: {  	v52 =	vand.u32 $0x3FC0, v53;
	v34 =	vor.u32 v7, v24;
	v31 =	vmov v59;
	v6 =	vld.idx.msk [tilespmem:v6+s16+$0x0], $0xffff;
	[tilespmem:v45+s17+$0x0] =	vst.idx.msk $0xffff, v33  }
0x11f: {  	v26 =	vor.u32 v37, v26;
	v13 =	vmov v34;
	v34 =	vor.u32 v9, v16;
	[tilespmem:$0x1FF60] =	vst v31;
	v39 =	vld.idx.msk [tilespmem:v63+s16+$0x0], $0xffff  }
0x120: {  	v60 =	vor.u32 v9, v29;
	v40 =	vor.u32 v0, v52;
	[tilespmem:v27+s17+$0x0] =	vst.idx.msk $0xffff, v3  }
0x121: {  	v59 =	vor.u32 v1, v56;
	v28 =	vshll.u32 v55, $0x6;
	[tilespmem:v30+s17+$0x0] =	vst.idx.msk $0xffff, v17;
	v30 =	vor.u32 v4, v2  }
0x122: {  	v58 =	vand.u32 $0x3FC0, v49;
	v28 =	vand.u32 $0x3FC0, v28;
	[tilespmem:v21+s17+$0x0] =	vst.idx.msk $0xffff, v23;
	v21 =	vld.idx.msk [tilespmem:v22+s16+$0x0], $0xffff;
	v23 =	vor.u32 v11, v43  }
0x123: {  	v36 =	vand.u32 $0x3F80, v46;
	[tilespmem:v15+s17+$0x0] =	vst.idx.msk $0xffff, v6;
	v15 =	vor.u32 v62, v28;
	v62 =	vor.u32 v5, v35  }
0x124: {  	v31 =	vshll.u32 v57, $0x6;
	v63 =	vor.u32 v5, v2;
	[tilespmem:v34+s17+$0x0] =	vst.idx.msk $0xffff, v39;
	v39 =	vor.u32 v7, v2;
	v2 =	vld [tilespmem:$0x1FFE0]  }
0x125: {  	v37 =	vor.u32 v5, v26;
	v51 =	vand.u32 $0x3F80, v31;
	v31 =	vor.u32 v61, v36;
	v27 =	vld.idx.msk [tilespmem:v54+s16+$0x0], $0xffff  }
0x126: {  	v25 =	vor.u32 v0, v58;
	v14 =	vmovc v31;
	v31 =	vand.u32 $0x7F, v57;
	v57 =	vor.u32 v1, v26;
	v22 =	vld.idx.msk [tilespmem:v30+s16+$0x0], $0xffff  }
0x127: {  	v32 =	vor.u32 v4, v48;
	v50 =	vor.u32 v8, v36;
	v54 =	vld.idx.msk [tilespmem:v59+s16+$0x0], $0xffff;
	[tilespmem:v23+s17+$0x0] =	vst.idx.msk $0xffff, v21  }
0x128: {  	v18 =	vor.u32 v61, v16;
	v17 =	vor.u32 v61, v29;
	v61 =	vor.u32 v10, v43;
	v59 =	vld.idx.msk [tilespmem:v62+s16+$0x0], $0xffff  }
0x129: {  	v55 =	vor.u32 v0, v28;
	v62 =	vor.u32 v4, v56;
	v45 =	vor.u32 v2, v43;
	v2 =	vld [tilespmem:$0x1FFE0]  }
0x12a: {  	v46 =	vor.u32 v9, v36;
	v19 =	vor.u32 v8, v51;
	v44 =	vor.u32 v31, v44  }
0x12b: {  	v3 =	vor.u32 v5, v24;
	v53 =	vor.u32 v1, v44;
	v57 =	vld.idx.msk [tilespmem:v57+s16+$0x0], $0xffff;
	[tilespmem:v60+s17+$0x0] =	vst.idx.msk $0xffff, v22  }
0x12c: {  	v6 =	vor.u32 v1, v48;
	v33 =	vor.u32 v11, v52;
	[tilespmem:v40+s17+$0x0] =	vst.idx.msk $0xffff, v54;
	v60 =	vld.idx.msk [tilespmem:v63+s16+$0x0], $0xffff  }
0x12d: {  	v30 =	vor.u32 v4, v26;
	v34 =	vor.u32 v10, v52;
	[tilespmem:v61+s17+$0x0] =	vst.idx.msk $0xffff, v59;
	v61 =	vld [tilespmem:$0x1FFD0]  }
0x12e: {  	[tilespmem:v55+s17+$0x0] =	vst.idx.msk $0xffff, v27;
	v63 =	vor.u32 v12, v29;
	v27 =	vor.u32 v2, v52;
	v52 =	vld.idx.msk [tilespmem:v62+s16+$0x0], $0xffff  }
0x12f: {  	p1 =	slt.u32 s21, $0xF8;
	v20 =	vor.u32 v9, v51;
	v24 =	vor.u32 v11, v58;
	v31 =	vor.u32 v5, v44;
	v62 =	vld [tilespmem:$0x1FFE0]  }
.Ltmp7:
0x130: {  	v49 =	vor.u32 v4, v44;
	v42 =	vor.u32 v11, v28;
	v53 =	vld.idx.msk [tilespmem:v53+s16+$0x0], $0xffff;
	[tilespmem:v50+s17+$0x0] =	vst.idx.msk $0xffff, v57;
	(pc) =	sbr.rel @p1 .LBB2_8-.Ltmp7, $4  }
0x131: {  	v40 =	vor.u32 v7, v56;
	v35 =	vld.idx.msk [tilespmem:v3+s16+$0x0], $0xffff;
	v21 =	vor.u32 v7, v44;
	v23 =	vor.u32 v10, v58  }
0x132: {  	v44 =	vor.u32 v10, v28;
	v22 =	vor.u32 v7, v48;
	v50 =	vld.idx.msk [tilespmem:v30+s16+$0x0], $0xffff;
	v48 =	vor.u32 v5, v48  }
0x133: {  	v29 =	vld.idx.msk [tilespmem:v6+s16+$0x0], $0xffff;
	v43 =	vor.u32 v12, v36;
	v36 =	vor.u32 v12, v51;
	[tilespmem:v63+s17+$0x0] =	vst.idx.msk $0xffff, v60  }
0x134: {  	s21 =	sadd.s32 $0x8, s21;
	v28 =	vor.u32 v61, v51;
	v51 =	vld.idx.msk [tilespmem:v41+s16+$0x0], $0xffff;
	v41 =	vor.u32 v5, v56;
	v30 =	vor.u32 v62, v58  }
0x135: {  	_ =	sdelay $0x3  }
0x136: {  	[tilespmem:v19+s17+$0x0] =	vst.idx.msk $0xffff, v53;
	v6 =	vld.idx.msk [tilespmem:v47+s16+$0x0], $0xffff  }
0x137: {  	v2 =	vld.idx.msk [tilespmem:v49+s16+$0x0], $0xffff;
	[tilespmem:v25+s17+$0x0] =	vst.idx.msk $0xffff, v29  }
0x138: {  	[tilespmem:v33+s17+$0x0] =	vst.idx.msk $0xffff, v52;
	v3 =	vld.idx.msk [tilespmem:v32+s16+$0x0], $0xffff  }
0x139: {  	[tilespmem:v46+s17+$0x0] =	vst.idx.msk $0xffff, v50  }
0x13a: {  	[tilespmem:v42+s17+$0x0] =	vst.idx.msk $0xffff, v51  }
0x13b: {  	[tilespmem:v45+s17+$0x0] =	vst.idx.msk $0xffff, v6  }
0x13c: {  	v59 =	vld.idx.msk [tilespmem:v37+s16+$0x0], $0xffff;
	[tilespmem:v20+s17+$0x0] =	vst.idx.msk $0xffff, v2  }
0x13d: {  	v25 =	vld.idx.msk [tilespmem:v38+s16+$0x0], $0xffff;
	[tilespmem:v24+s17+$0x0] =	vst.idx.msk $0xffff, v3  }
0x13e: {  	v24 =	vld [tilespmem:$0x1FFF0]  }
0x13f: {  	v29 =	vld.idx.msk [tilespmem:v41+s16+$0x0], $0xffff  }
0x140: {  	v60 =	vld.idx.msk [tilespmem:v39+s16+$0x0], $0xffff  }
0x141: {  	v2 =	vld.idx.msk [tilespmem:v31+s16+$0x0], $0xffff  }
0x142: {  	v3 =	vld.idx.msk [tilespmem:v48+s16+$0x0], $0xffff;
	[tilespmem:v43+s17+$0x0] =	vst.idx.msk $0xffff, v59  }
0x143: {  	[tilespmem:v44+s17+$0x0] =	vst.idx.msk $0xffff, v25;
	v6 =	vor.u32 v24, v16  }
0x144: {  	[tilespmem:v34+s17+$0x0] =	vst.idx.msk $0xffff, v29  }
0x145: {  	[tilespmem:v17+s17+$0x0] =	vst.idx.msk $0xffff, v60  }
0x146: {  	[tilespmem:v36+s17+$0x0] =	vst.idx.msk $0xffff, v2  }
0x147: {  	v26 =	vor.u32 v7, v26;
	[tilespmem:v23+s17+$0x0] =	vst.idx.msk $0xffff, v3  }
0x148: {  	[tilespmem:v6+s17+$0x0] =	vst.idx.msk $0xffff, v35  }
0x149: {  	v12 =	vld [tilespmem:$0x1FF60];
	_ =	sdelay $0x2  }
0x14a: {  	v19 =	vld.idx.msk [tilespmem:v26+s16+$0x0], $0xffff  }
0x14b: {  	v63 =	vld.idx.msk [tilespmem:v40+s16+$0x0], $0xffff  }
0x14c: {  	v2 =	vld.idx.msk [tilespmem:v21+s16+$0x0], $0xffff  }
0x14d: {  	v3 =	vld.idx.msk [tilespmem:v22+s16+$0x0], $0xffff  }
0x14e: {  	v6 =	vld.idx.msk [tilespmem:v13+s16+$0x0], $0xffff  }
0x14f: {  	[tilespmem:v14+s17+$0x0] =	vst.idx.msk $0xffff, v19;
	v12 =	vld.idx.msk [tilespmem:v12+s16+$0x0], $0xffff  }
0x150: {  	[tilespmem:v27+s17+$0x0] =	vst.idx.msk $0xffff, v63  }
.Ltmp8:
0x151: {  	[tilespmem:v28+s17+$0x0] =	vst.idx.msk $0xffff, v2;
	(pc) =	sbr.rel .LBB2_10-.Ltmp8, $4  }
0x152: {  	[tilespmem:v30+s17+$0x0] =	vst.idx.msk $0xffff, v3  }
0x153: {  	s20 =	sshll.u32 s20, $0x10;
	[tilespmem:v18+s17+$0x0] =	vst.idx.msk $0xffff, v6  }
0x154: {  	s20 =	sadd.s32 s20, s6;
	[tilespmem:v15+s17+$0x0] =	vst.idx.msk $0xffff, v12  }
0x155: {  	v56 =	vmov v9;
	v27 =	vmov v8;
	[hbm4b:s20+s2] =	stream.linear.scatter [tilespmem:s17], [sflag:$0x4], $0x4000, $0x38;
	[tilespmem:$0x10000] =	vst v63  }
.LBB2_12:
0x156: {  	_ =	sfence.sel $0x180000  }
0x157: {  	[bflag:$0x0] =	sbarrier.arrive $0xFFFF  }
0x158: {  	p0 =	sne.s32 s1, $0x0;
	_ =	strace $0x90000047  }
0x159: {  	s0 =	sadd.s32 @!p0 $0x100000, s3;
	[bflag:$0x2] =	sbarrier.arrive $0xFFFF  }
0x15a: {  	[sflag:s0] =	ssyncadd.tile.s32 @!p0 $0x1;
	_ =	shalt  }
.Lfunc_end2:
_tile_overlayer_lowered:
.L_overlay_start_2:
0x15b: {  	(tag) =	ssettag $0x2  }
0x15c: {  	s0 =	rddreg [dreg:$0x0];
	s2 =	stileid.u32  }
0x15d: {  	s1 =	rddreg [dreg:$0x1];
	p0 =	sne.s32 s2, $0x0  }
0x15e: {  	s3 =	rddreg [dreg:$0x2];
	[bflag:$0x3] =	sbarrier.arrive $0xFFFF;
	s2 =	simm.s32 @!p0 $0x1C05  }
0x15f: {  	[timem:s3], [sflag:s2] =	dma.local @!p0 [hbm:s0], s1  }
0x160: {  	s0 =	simm.s32 @!p0 $0x5  }
0x161: {  	_ =	swait.ge @!p0 [sflag:s0], s1  }
0x162: {  	s1 =	ssub.s32 @!p0 $0x0, s1;
	[sflag:s0] =	ssyncset.done @!p0 $0x0  }
0x163: {  	[sflag:s0] =	ssyncadd.s32 @!p0 s1  }
0x164: {  	[bflag:$0x3] =	sbarrier.arrive $0xFFFF  }
0x165: {  	_ =	shalt  }

// kernel: kernel.7.cloned.1.call-start
scs
__scs_entry_jumppad:
0x0: {  	(pc) =	sbr.rel $0x88, $3  }
0x1: {  	(tag) =	ssettag $0x0;
	lr =	simm.s32 $0x1  }
0x2: {  	[smem:$0x3F9F] =	sst lr;
	_ =	strace $0xD0000000  }
0x3: {  	_ = 	snop  }
0x4: {  	_ = 	snop  }
0x5: {  	_ = 	snop  }
0x6: {  	_ = 	snop  }
0x7: {  	_ = 	snop  }
__scs_overlays_trampoline_lowered:
0x8: {  	[smem:$0x3FAE] =	sst s0  }
0x9: {  	[smem:$0x3FAF] =	sst s1  }
0xa: {  	[smem:$0x3FB0] =	sst s2  }
0xb: {  	[smem:$0x3FB1] =	sst s3  }
0xc: {  	[smem:$0x3FB2] =	sst s4  }
0xd: {  	[smem:$0x3FB3] =	sst s5  }
0xe: {  	[smem:$0x3FB4] =	sst s6  }
0xf: {  	[smem:$0x3FB5] =	sst s7  }
0x10: {  	[smem:$0x3FB6] =	sst s8  }
0x11: {  	[smem:$0x3FB7] =	sst s9;
	s0 =	simm.s32 @!p0 $0x0  }
0x12: {  	s1 =	sld [smem:$0x3F9D];
	s0 =	simm.s32 @p0 $0x1  }
0x13: {  	[smem:$0x3FB8] =	sst s0;
	s0 =	simm.s32 @!p1 $0x0  }
0x14: {  	s2 =	sld [smem:$0x3F9C];
	s0 =	simm.s32 @p1 $0x1  }
0x15: {  	[smem:$0x3FB9] =	sst s0;
	s0 =	simm.s32 @!p2 $0x0  }
0x16: {  	s3 =	sld [smem:$0x3FDB];
	s0 =	simm.s32 @p2 $0x1  }
0x17: {  	s4 =	simm.s32 $0x1BF5;
	[smem:$0x3FBB] =	sst s0  }
0x18: {  	s0 =	sld [smem:$0x3F9E];
	_ =	swait.ge [sflag:s4], $0x0  }
0x19: {  	s7 =	sld [smem:$0x3F9F]  }
0x1a: {  	s8 =	sadd.s32 $0xFFFFE003, lr  }
0x1b: {  	s9 =	sadd.s32 $0xFFFFFEF7, lr;
	s5 =	simm.s32 $0xFFFFFFFF;
	p2 =	slt.u32 s8, $0xFFFFF086  }
0x1c: {  	p1 =	slt.u32 s9, $0xF7A;
	s5 =	simm.s32 @!p2 $0x0  }
0x1d: {  	s5 =	simm.s32 @p1 $0x1;
	p0 =	seq.s32 s7, s2  }
0x1e: {  	s7 =	smul.u32 @!p0 $0xF7A, s2;
	p2 =	seq.s32 @!p0 s5, $0x0  }
0x1f: {  	s9 =	smul.u32 $0xF7A, s1;
	s8 =	simm.s32 @!p0 $0x1BF5;
	p2 =	por !p2, p0  }
0x20: {  	[sflag:s8] =	ssyncset.s32 @!p0 $0xFFFFF086;
	s6 =	sadd.s32 @!p0 s3, s7;
	s7 =	simm.s32 @!p0 $0x108  }
0x21: {  	s3 =	sadd.s32 s3, s9;
	s6 =	sadd.s32 @!p0 $0x88, s6;
	s7 =	simm.s32 @p2 $0x1082  }
0x22: {  	[simem:s7], [sflag:s8] =	dma.local @!p0 [hbm:s6], $0xF7A  }
0x23: {  	s9 =	sor.u32 $0xD0000000, s2;
	s6 =	simm.s32 $0x108;
	_ =	swait.ge @!p0 [sflag:s8], $0x0  }
0x24: {  	s3 =	sadd.s32 $0x88, s3;
	s6 =	simm.s32 @!p1 $0x1082;
	[sflag:s4] =	ssyncset.s32 $0xFFFFF086  }
0x25: {  	[simem:s6], [sflag:s4] =	dma.local [hbm:s3], $0xF7A  }
0x26: {  	[smem:$0x3F9F] =	sst s1;
	(tag) =	ssettag s2;
	_ =	strace s9  }
0x27: {  	s1 =	sld [smem:$0x3FAF]  }
0x28: {  	s2 =	sld [smem:$0x3FB0]  }
0x29: {  	s4 =	sld [smem:$0x3FB2]  }
0x2a: {  	p0 =	seq.s32 s5, $0x0;
	s5 =	sld [smem:$0x3FB3]  }
0x2b: {  	s6 =	sld [smem:$0x3FB4]  }
0x2c: {  	s7 =	sld [smem:$0x3FB5]  }
0x2d: {  	s3 =	simm.s32 $0x108;
	s8 =	sld [smem:$0x3FB6]  }
0x2e: {  	s3 =	simm.s32 @!p0 $0x1082;
	s9 =	sld [smem:$0x3FB7]  }
0x2f: {  	lr =	sadd.s32 s0, s3;
	s0 =	sld [smem:$0x3FAE]  }
0x30: {  	s3 =	sld [smem:$0x3FB1]  }
0x31: {  	[smem:$0x3FBA] =	sst s10  }
0x32: {  	s10 =	sld [smem:$0x3FB8];
	_ =	sdelay $0x3  }
0x33: {  	p0 =	seq.s32 s10, $0x1;
	s10 =	sld [smem:$0x3FBA];
	_ =	sdelay $0x3  }
0x34: {  	[smem:$0x3FBA] =	sst s10  }
0x35: {  	s10 =	sld [smem:$0x3FB9];
	_ =	sdelay $0x3  }
0x36: {  	p1 =	seq.s32 s10, $0x1;
	s10 =	sld [smem:$0x3FBA];
	_ =	sdelay $0x3  }
0x37: {  	[smem:$0x3FBA] =	sst s10  }
0x38: {  	s10 =	sld [smem:$0x3FBB]  }
0x39: {  	_ = 	snop;
	(pc) =	sbr.ind lr, $3  }
0x3a: {  	_ = 	snop  }
0x3b: {  	_ = 	snop  }
0x3c: {  	p2 =	seq.s32 s10, $0x1;
	s10 =	sld [smem:$0x3FBA]  }
0x3d: {  	_ =	shalt  }
0x3e: {  	_ =	shalt  }
0x3f: {  	_ =	shalt  }
0x40: {  	_ =	shalt  }
0x41: {  	_ =	shalt  }
0x42: {  	_ =	shalt  }
0x43: {  	_ =	shalt  }
0x44: {  	_ =	shalt  }
0x45: {  	_ =	shalt  }
0x46: {  	_ =	shalt  }
0x47: {  	_ =	shalt  }
0x48: {  	_ =	shalt  }
0x49: {  	_ =	shalt  }
0x4a: {  	_ =	shalt  }
0x4b: {  	_ =	shalt  }
0x4c: {  	_ =	shalt  }
0x4d: {  	_ =	shalt  }
0x4e: {  	_ =	shalt  }
0x4f: {  	_ =	shalt  }
0x50: {  	_ =	shalt  }
0x51: {  	_ =	shalt  }
0x52: {  	_ =	shalt  }
0x53: {  	_ =	shalt  }
0x54: {  	_ =	shalt  }
0x55: {  	_ =	shalt  }
0x56: {  	_ =	shalt  }
0x57: {  	_ =	shalt  }
0x58: {  	_ =	shalt  }
0x59: {  	_ =	shalt  }
0x5a: {  	_ =	shalt  }
0x5b: {  	_ =	shalt  }
0x5c: {  	_ =	shalt  }
0x5d: {  	_ =	shalt  }
0x5e: {  	_ =	shalt  }
0x5f: {  	_ =	shalt  }
0x60: {  	_ =	shalt  }
0x61: {  	_ =	shalt  }
0x62: {  	_ =	shalt  }
0x63: {  	_ =	shalt  }
0x64: {  	_ =	shalt  }
0x65: {  	_ =	shalt  }
0x66: {  	_ =	shalt  }
0x67: {  	_ =	shalt  }
0x68: {  	_ =	shalt  }
0x69: {  	_ =	shalt  }
0x6a: {  	_ =	shalt  }
0x6b: {  	_ =	shalt  }
0x6c: {  	_ =	shalt  }
0x6d: {  	_ =	shalt  }
0x6e: {  	_ =	shalt  }
0x6f: {  	_ =	shalt  }
0x70: {  	_ =	shalt  }
0x71: {  	_ =	shalt  }
0x72: {  	_ =	shalt  }
0x73: {  	_ =	shalt  }
0x74: {  	_ =	shalt  }
0x75: {  	_ =	shalt  }
0x76: {  	_ =	shalt  }
0x77: {  	_ =	shalt  }
0x78: {  	_ =	shalt  }
0x79: {  	_ =	shalt  }
0x7a: {  	_ =	shalt  }
0x7b: {  	_ =	shalt  }
0x7c: {  	_ =	shalt  }
0x7d: {  	_ =	shalt  }
0x7e: {  	_ =	shalt  }
0x7f: {  	_ =	shalt  }
0x80: {  	_ =	shalt  }
0x81: {  	_ =	shalt  }
0x82: {  	_ =	shalt  }
0x83: {  	_ =	shalt  }
0x84: {  	_ =	shalt  }
0x85: {  	_ =	shalt  }
0x86: {  	_ =	shalt  }
0x87: {  	_ =	shalt  }
.Lfunc_end0:
.L_simem_size_0:
called_computation.1_lowered:
.L_overlay_start_0:
0x88: {  	s2 =	sld [smem:$0x3FD9]  }
0x89: {  	s3 =	sld [smem:$0x3FFE];
	_ =	sdelay $0x1  }
0x8a: {  	s1 =	srdreg.scid  }
0x8b: {  	s0 =	sand.u32 $0x1, s1  }
0x8c: {  	s17 =	sshll.u32 s0, $0xA;
	s2 =	sadd.s32 s3, s2  }
0x8d: {  	s2 =	sadd.s32 s2, s17  }
0x8e: {  	[smem:$0x3FC6] =	sst s2  }
0x8f: {  	_ = 	snop  }
0x90: {  	s2 =	sld [smem:$0x3FC9]  }
0x91: {  	s18 =	sld [smem:$0x3FD0];
	(tm) =	ssettm $0x1  }
0x92: {  	s4 =	sld [smem:$0x3FFB];
	_ =	sdelay $0x3  }
0x93: {  	_ =	strace s4  }
0x94: {  	s4 =	sld [smem:$0x3FFC];
	_ =	sdelay $0x3  }
0x95: {  	_ =	strace s4  }
0x96: {  	s4 =	sld [smem:$0x3FFD];
	_ =	sdelay $0x3  }
0x97: {  	_ =	strace s4  }
0x98: {  	_ =	strace $0x8FFFFFFF  }
0x99: {  	s19 =	sld [smem:$0x3FDB];
	_ =	sdelay $0x1  }
0x9a: {  	s5 =	simm.s32 $_scs_section_size  }
0x9b: {  	s6 =	simm.s32 $_size__tile_overlayer_lowered;
	s7 =	simm.s32 $_tile_overlayer_lowered  }
0x9c: {  	s22 =	simm.s32 $0x1BFF;
	s21 =	sshll.u32 s7, $0x1;
	s4 =	sadd.s32 s5, s19  }
0x9d: {  	s8 =	simm.s32 $0x0;
	s20 =	sshll.u32 s6, $0x1;
	s6 =	sadd.s32 s21, s4  }
0x9e: {  	[timem:s8], [sflag:s22] =	dma.local [hbm:s6], s20  }
0x9f: {  	_ =	swait.ge [sflag:s22], s20  }
0xa0: {  	s5 =	ssub.s32 $0x0, s20;
	[sflag:s22] =	ssyncset.done $0x0  }
0xa1: {  	[sflag:s22] =	ssyncadd.s32 s5;
	_ =	sdelay $0x1  }
0xa2: {  	s23 =	simm.s32 $0x1B8B  }
0xa3: {  	_ =	swait.ge [sflag:s23], $0x1  }
0xa4: {  	[sflag:s23] =	ssyncset.done $0x0  }
0xa5: {  	s25 =	simm.s32 $0x1B8E;
	s24 =	sld [smem:$0x3FFE];
	[sflag:s23] =	ssyncadd.s32 $0xFFFFFFFF  }
0xa6: {  	s26 =	simm.s32 $execute0_lowered;
	[smem:$0x3FD2] =	sst s25  }
0xa7: {  	s6 =	sshll.u32 s26, $0x1;
	_ =	strace $0x80000049;
	[dreg:$0x1] =	wrdreg $0xFFFFFFFF  }
0xa8: {  	s28 =	simm.s32 $_size_execute0_lowered;
	s4 =	sadd.s32 s4, s6;
	[dreg:$0x0] =	wrdreg $0x0  }
0xa9: {  	s6 =	sshll.u32 s28, $0x1;
	[dreg:$0x2] =	wrdreg s4  }
0xaa: {  	[dreg:$0x3] =	wrdreg s6  }
0xab: {  	[dreg:$0x4] =	wrdreg $0xC0  }
0xac: {  	_ =	task [dreg:s8], $0x5FFFF  }
0xad: {  	[dreg:$0x1] =	wrdreg $0xFFFFFFFF  }
0xae: {  	[dreg:$0x0] =	wrdreg $0x60  }
0xaf: {  	[dreg:$0x2] =	wrdreg s24  }
0xb0: {  	[dreg:$0x3] =	wrdreg s2  }
0xb1: {  	[dreg:$0x4] =	wrdreg s18  }
0xb2: {  	[dreg:$0x5] =	wrdreg $0x9  }
0xb3: {  	_ =	task.clear_ibuf [dreg:s8], $0x6FFFF;
	_ =	strace $0x90000049  }
0xb4: {  	s29 =	simm.s32 $0x9;
	_ =	strace $0x8000004B  }
0xb5: {  	_ =	swait.ge [sflag:s29], $0x1  }
0xb6: {  	[sflag:s29] =	ssyncadd.s32 $0xFFFFFFFF  }
0xb7: {  	_ =	strace $0x9000004B  }
0xb8: {  	_ =	sfence  }
0xb9: {  	s30 =	sld [smem:$0x0];
	_ =	sdelay $0x2  }
0xba: {  	s31 =	sshll.u32 s1, $0xD;
	s1 =	sshrl.u32 s1, $0x2  }
0xbb: {  	s3 =	sand.u32 $0x4000, s31;
	s1 =	sadd.s32 s1, s30  }
0xbc: {  	s0 =	sor.u32 s3, s0;
	s1 =	sshll.u32 s1, $0x11  }
0xbd: {  	s0 =	sor.u32 s1, s0  }
0xbe: {  	s0 =	sadd.s32 $0x8F2B, s0  }
0xbf: {  	[sflag:s0] =	ssyncadd.remote.s32 $0x1  }
0xc0: {  	_ =	sfence.sel $0xFFFF  }
0xc1: {  	[dreg:$0x0] =	wrdreg $0xFFFFFFFF;
	(pc) =	sbr.abs _section_cstart, $3  }
0xc2: {  	[dreg:$0x1] =	wrdreg $0xFFFFFFFF  }
0xc3: {  	_ =	task.clear_ibuf [dreg:s8], $0x2FFFF;
	_ =	strace $0x9FFFFFFF  }
0xc4: {  	(tm) =	ssettm $0x7FFFFFFF  }
0xc5: {  	_ =	shalt  }
tec
execute0_lowered:
.L_overlay_start_1:
0x0: {  	(tag) =	ssettag $0x1  }
0x1: {  	s0 =	rddreg [dreg:$0x0]  }
0x2: {  	s1 =	rddreg [dreg:$0x1]  }
0x3: {  	s2 =	rddreg [dreg:$0x2]  }
0x4: {  	s4 =	simm.s32 $0x0;
	s5 =	srdreg.scid;
	s3 =	stileid.u32  }
0x5: {  	s11 =	simm.s32 $0x800;
	s12 =	simm.s32 $0x4;
	s13 =	simm.s32 $0x80  }
0x6: {  	s14 =	simm.s32 $0x400;
	s15 =	simm.s32 $0x15A00;
	s16 =	simm.s32 $0x19A00  }
0x7: {  	s17 =	simm.s32 $0x1;
	s18 =	simm.s32 $0x5A00;
	s19 =	simm.s32 $0x2  }
0x8: {  	s20 =	simm.s32 $0x3;
	s21 =	simm.s32 $0x0;
	[smem:$0x7FF] =	sst s4  }
0x9: {  	s7 =	sand.u32 $0x1, s5;
	s5 =	sadd.s32 $0xA00, s0;
	s8 =	sshll.u32 s3, $0x1  }
0xa: {  	s6 =	sadd.s32 $0x7A1C00, s0;
	p0 =	sgt.u32 s3, $0x3;
	s9 =	ssub.s32 $0x2, s7  }
0xb: {  	_ =	strace $0x8000004A;
	s7 =	sor.u32 s7, s8;
	s31 =	sshrl.u32 s9, $0x1  }
0xc: {  	v0 =	vlaneseq.u32;
	s8 =	simm.s32 $0x6;
	s10 =	sshll.u32 s7, $0x7;
	s0 =	ssub.s32 s9, s31  }
0xd: {  	v1 =	vimm.f32 $8.000000000e+00;
	v2 =	vmul.u32 $0x80, v0;
	s8 =	simm.s32 @!p0 $0x7;
	s9 =	sand.u32 $0x380, s10;
	s10 =	smax.u32 s0, $0x1  }
.LBB2_1:
0xe: {  	[tilespmem:s11], [sflag:$0x4] =	stream.linear.gather [hbm4b:s6+s4], $0x3200, $0x38;
	[tilespmem:$0x1DA00] =	vst v63  }
0xf: {  	_ =	swait.ge [sflag:s12], $0x3200  }
0x10: {  	[sflag:s12] =	ssyncset.done $0x0  }
0x11: {  	s22 =	simm.s32 $0x0;
	[sflag:s12] =	ssyncadd.s32 $0xFFFFCE00  }
.LBB2_2:
0x12: {  	s0 =	sshll.u32 s22, $0x5  }
0x13: {  	s23 =	sor.u32 s7, s0  }
0x14: {  	s0 =	sshll.u32 s23, $0xA  }
0x15: {  	s0 =	sand.u32 $0xFFFFE000, s0  }
0x16: {  	s0 =	sor.u32 s9, s0  }
0x17: {  	s0 =	sshrl.u32 s0, $0x3  }
0x18: {  	s0 =	sadd.s32 s1, s0  }
0x19: {  	[tilespmem:s4], [sflag:$0x4] =	stream.strided.gather [hbm4b:s0+s13], $0x400, s14, s13, $0x38;
	[tilespmem:$0x1DA00] =	vst v63  }
0x1a: {  	_ =	swait.ge [sflag:s12], $0x400  }
0x1b: {  	[sflag:s12] =	ssyncset.done $0x0  }
0x1c: {  	s31 =	simm.s32 $0x20;
	[sflag:s12] =	ssyncadd.s32 $0xFFFFFC00  }
0x1d: {  	v3 =	vld [tilespmem:s31+$0xFFFFFFE0]  }
0x1e: {  	v5 =	vld [tilespmem:s31+$0x0]  }
0x1f: {  	v4 =	vld [tilespmem:s31+$0x10]  }
0x20: {  	v6 =	vld [tilespmem:s31+$0xFFFFFFF0];
	_ =	sdelay $0x1  }
0x21: {  	s24 =	simm.s32 $0x420;
	s25 =	simm.s32 $0x60;
	v7 =	vshrl.u32 v3, $0x1  }
0x22: {  	v3 =	vld [tilespmem:s25+$0xFFFFFFE0];
	v8 =	vshrl.u32 v5, $0x1;
	[tilespmem:s24+$0xFFFFFFE0] =	vst v7  }
0x23: {  	v5 =	vld [tilespmem:s25+$0x0];
	v7 =	vshrl.u32 v4, $0x1;
	[tilespmem:s24+$0x0] =	vst v8  }
0x24: {  	s26 =	simm.s32 $0x4;
	v6 =	vshrl.u32 v6, $0x1;
	v4 =	vld [tilespmem:s25+$0x10];
	[tilespmem:s24+$0x10] =	vst v7  }
.LBB2_3:
0x25: {  	s26 =	sadd.s32 $0x4, s26  }
0x26: {  	v7 =	vld [tilespmem:s25+$0xFFFFFFF0];
	[tilespmem:s24+$0xFFFFFFF0] =	vst v6;
	s24 =	sadd.s32 $0x40, s24;
	p0 =	slt.u32 s26, $0x3C  }
.Ltmp0:
0x27: {  	(pc) =	sbr.rel @p0 .LBB2_3-.Ltmp0, $4  }
0x28: {  	s25 =	sadd.s32 $0x40, s25;
	v6 =	vshrl.u32 v3, $0x1  }
0x29: {  	v3 =	vld [tilespmem:s25+$0xFFFFFFE0];
	[tilespmem:s24+$0xFFFFFFE0] =	vst v6;
	v6 =	vshrl.u32 v4, $0x1  }
0x2a: {  	v4 =	vld [tilespmem:s25+$0x10];
	v8 =	vshrl.u32 v5, $0x1;
	[tilespmem:s24+$0x10] =	vst v6  }
0x2b: {  	v5 =	vld [tilespmem:s25+$0x0];
	v6 =	vshrl.u32 v7, $0x1;
	[tilespmem:s24+$0x0] =	vst v8  }
0x2c: {  	v7 =	vld [tilespmem:s25+$0xFFFFFFF0];
	_ =	sdelay $0x1  }
0x2d: {  	[tilespmem:s24+$0xFFFFFFF0] =	vst v6;
	s0 =	sadd.s32 $0x40, s24;
	s28 =	simm.s32 $0x3;
	v3 =	vshrl.u32 v3, $0x1  }
0x2e: {  	v6 =	vadd.s32 s28, v0;
	[tilespmem:s0+$0xFFFFFFE0] =	vst v3;
	v3 =	vshrl.u32 v4, $0x1  }
0x2f: {  	s29 =	sshll.u32 s23, $0x6;
	s26 =	simm.s32 $0x1;
	v6 =	vand.u32 $0x3F, v6;
	v4 =	vshrl.u32 v5, $0x1;
	[tilespmem:s0+$0x10] =	vst v3  }
0x30: {  	s24 =	simm.s32 $0x0;
	v3 =	vmov s29;
	v5 =	vshrl.u32 v7, $0x1;
	[tilespmem:s0+$0x0] =	vst v4;
	v4 =	vadd.s32 s26, v0  }
0x31: {  	s30 =	simm.s32 $0x2;
	v6 =	vor.u32 v3, v6;
	v7 =	vadd.s32 s24, v0;
	v4 =	vand.u32 $0x3F, v4  }
0x32: {  	[tilespmem:s0+$0xFFFFFFF0] =	vst v5;
	v5 =	vadd.s32 s30, v0;
	v7 =	vand.u32 $0x3F, v7;
	v4 =	vor.u32 v3, v4  }
0x33: {  	s31 =	simm.s32 $0x7;
	v5 =	vand.u32 $0x3F, v5;
	v7 =	vor.u32 v3, v7  }
0x34: {  	s3 =	simm.s32 $0x5;
	s25 =	simm.s32 $0x6;
	v8 =	vadd.s32 s31, v0;
	v5 =	vor.u32 v3, v5  }
0x35: {  	v9 =	vadd.s32 s3, v0;
	v8 =	vand.u32 $0x3F, v8;
	[tilespmem:s15], [sflag:$0x1] =	stream.indirect.gather [hbm4b:s5+s13], $0x80, s14, s13, $0xb8;
	[tilespmem:$0x1DA00] =	vst v63  }
0x36: {  	v10 =	vadd.s32 s25, v0;
	v9 =	vand.u32 $0x3F, v9;
	s26 =	simm.s32 $0x4;
	v8 =	vor.u32 v3, v8;
	v6 =	vld.idx.msk [tilespmem:v6+s11+$0x0], $0xffff  }
0x37: {  	v10 =	vand.u32 $0x3F, v10;
	v9 =	vor.u32 v3, v9;
	v11 =	vld.idx.msk [tilespmem:v4+s11+$0x0], $0xffff;
	v4 =	vadd.s32 s26, v0  }
0x38: {  	v10 =	vor.u32 v3, v10;
	v13 =	vld.idx.msk [tilespmem:v7+s11+$0x0], $0xffff;
	v4 =	vand.u32 $0x3F, v4  }
0x39: {  	v12 =	vld.idx.msk [tilespmem:v5+s11+$0x0], $0xffff;
	v7 =	vor.u32 v3, v4  }
0x3a: {  	s25 =	simm.s32 $0x3B00;
	s28 =	simm.s32 $0xB;
	s29 =	simm.s32 $0x9  }
0x3b: {  	v14 =	vadd.s32 s29, v0;
	s30 =	simm.s32 $0xA;
	v5 =	vadd.s32 s28, v0;
	v4 =	vld.idx.msk [tilespmem:v8+s11+$0x0], $0xffff;
	[tilespmem:s25+$0x80] =	vst v6  }
0x3c: {  	s31 =	simm.s32 $0x8;
	v14 =	vand.u32 $0x3F, v14;
	v15 =	vadd.s32 s30, v0;
	v6 =	vand.u32 $0x3F, v5;
	v5 =	vld.idx.msk [tilespmem:v9+s11+$0x0], $0xffff;
	[tilespmem:s25+$0xFFFFFF80] =	vst v11  }
0x3d: {  	v15 =	vand.u32 $0x3F, v15;
	v8 =	vor.u32 v3, v6;
	v6 =	vld.idx.msk [tilespmem:v10+s11+$0x0], $0xffff;
	v11 =	vadd.s32 s31, v0;
	[tilespmem:s25+$0xFFFFFF00] =	vst v13  }
0x3e: {  	s26 =	simm.s32 $0xC;
	v9 =	vor.u32 v3, v14;
	v10 =	vor.u32 v3, v15;
	[tilespmem:s25+$0x0] =	vst v12;
	v11 =	vand.u32 $0x3F, v11;
	v7 =	vld.idx.msk [tilespmem:v7+s11+$0x0], $0xffff  }
.LBB2_5:
0x3f: {  	s0 =	sadd.s32 $0x3, s26  }
0x40: {  	p0 =	slt.u32 s26, $0x3C;
	v12 =	vor.u32 v3, v11;
	s28 =	smov.u32 s26;
	s26 =	sadd.s32 $0x4, s26  }
.Ltmp1:
0x41: {  	s25 =	sadd.s32 $0x200, s25;
	s29 =	sadd.s32 $0x1, s28;
	v11 =	vadd.s32 s0, v0;
	(pc) =	sbr.rel @p0 .LBB2_5-.Ltmp1, $4  }
0x42: {  	s0 =	sadd.s32 $0x2, s28;
	v13 =	vadd.s32 s29, v0;
	v11 =	vand.u32 $0x3F, v11;
	[tilespmem:s25+$0x80] =	vst v4;
	v4 =	vld.idx.msk [tilespmem:v8+s11+$0x0], $0xffff  }
0x43: {  	v14 =	vadd.s32 s0, v0;
	v13 =	vand.u32 $0x3F, v13;
	v8 =	vor.u32 v3, v11;
	[tilespmem:s25+$0xFFFFFF80] =	vst v5;
	v5 =	vld.idx.msk [tilespmem:v9+s11+$0x0], $0xffff  }
0x44: {  	v11 =	vadd.s32 s28, v0;
	v9 =	vor.u32 v3, v13;
	v13 =	vand.u32 $0x3F, v14;
	[tilespmem:s25+$0x0] =	vst v6;
	v6 =	vld.idx.msk [tilespmem:v10+s11+$0x0], $0xffff  }
0x45: {  	v11 =	vand.u32 $0x3F, v11;
	v10 =	vor.u32 v3, v13;
	[tilespmem:s25+$0xFFFFFF00] =	vst v7;
	v7 =	vld.idx.msk [tilespmem:v12+s11+$0x0], $0xffff  }
0x46: {  	_ =	sdelay $0x1  }
0x47: {  	v3 =	vor.u32 v3, v11;
	_ =	sdelay $0x1  }
0x48: {  	s0 =	sadd.s32 $0x200, s25;
	v8 =	vld.idx.msk [tilespmem:v8+s11+$0x0], $0xffff  }
0x49: {  	v62 =	vld.idx.msk [tilespmem:v9+s11+$0x0], $0xffff;
	[tilespmem:s0+$0x80] =	vst v4  }
0x4a: {  	v63 =	vld.idx.msk [tilespmem:v10+s11+$0x0], $0xffff;
	[tilespmem:s0+$0xFFFFFF80] =	vst v5  }
0x4b: {  	[tilespmem:s0+$0x0] =	vst v6;
	v3 =	vld.idx.msk [tilespmem:v3+s11+$0x0], $0xffff  }
0x4c: {  	[tilespmem:s0+$0xFFFFFF00] =	vst v7;
	s0 =	sadd.s32 $0x200, s0  }
0x4d: {  	[tilespmem:s0+$0x80] =	vst v8  }
0x4e: {  	[tilespmem:s0+$0xFFFFFF80] =	vst v62  }
0x4f: {  	[tilespmem:s0+$0x0] =	vst v63  }
0x50: {  	[tilespmem:s0+$0xFFFFFF00] =	vst v3  }
.LBB2_7:
0x51: {  	s25 =	sshll.u32 s24, $0x8  }
0x52: {  	s26 =	sand.u32 $0x3FFFFF00, s25  }
0x53: {  	s0 =	sadd.s32 $0x480, s26  }
0x54: {  	[tilespmem:s16], [sflag:$0x2] =	stream.indirect.gather [hbm4b:s5+s13], $0x80, s0, s13, $0xb8;
	[tilespmem:$0x1DA00] =	vst v63  }
0x55: {  	_ =	swait.ge [sflag:s17], $0x4000  }
0x56: {  	[sflag:s17] =	ssyncset.done $0x0  }
0x57: {  	s28 =	simm.s32 $0x0;
	s29 =	simm.s32 $0x0;
	v3 =	vmov s25;
	[sflag:s17] =	ssyncadd.s32 $0xFFFFC000  }
.LBB2_8:
0x58: {  	_ =	sdelay $0x2  }
0x59: {  	s0 =	sshll.u32 s29, $0x4  }
0x5a: {  	v5 =	vld.idx.msk [tilespmem:v3+s0+$0x0 ss:$0x1], $0xffff;
	_ =	sdelay $0x1  }
0x5b: {  	s3 =	simm.s32 $0x1;
	s31 =	simm.s32 $0x2;
	s30 =	sor.u32 s25, s0;
	v6 =	vmov s0  }
0x5c: {  	v10 =	vadd.s32 s3, v0;
	v12 =	vadd.s32 s31, v0;
	v7 =	vmov s30  }
0x5d: {  	v6 =	vshll.u32 v6, $0x7;
	v8 =	vor.u32 s30, v0;
	v7 =	vshll.u32 v7, $0x3  }
0x5e: {  	v6 =	vor.u32 v2, v6;
	vm0 =	veq.s32 v5, $0x0;
	v5 =	vshll.u32 v5, $0x6  }
0x5f: {  	v8 =	vand.u32 $0x7F, v8;
	v7 =	vand.u32 $0x1800, v7;
	v5 =	vand.u32 $0x40, v5  }
0x60: {  	s30 =	simm.s32 $0x3;
	v6 =	vor.u32 v6, v5;
	v5 =	vor.u32 v8, v7;
	v7 =	vadd.s32 s28, v0  }
0x61: {  	v9 =	vand.u32 $0x3F, v10;
	v11 =	vadd.s32 s30, v0;
	v8 =	vand.u32 $0x3F, v7  }
0x62: {  	v20 =	vshll.u32 v10, $0xA;
	v13 =	vor.u32 v6, v8;
	v8 =	vand.u32 $0x3F, v11  }
0x63: {  	s3 =	simm.s32 $0x4;
	v21 =	vshll.u32 v10, $0x7;
	v15 =	vor.u32 v9, v6;
	v14 =	vor.u32 v8, v6  }
0x64: {  	s30 =	simm.s32 $0x6;
	v9 =	vadd.s32 s3, v0;
	v18 =	vshll.u32 v7, $0xA;
	v19 =	vshll.u32 v7, $0x7  }
0x65: {  	v7 =	vadd.s32 s30, v0;
	s30 =	simm.s32 $0x3B00;
	v17 =	vand.u32 $0x3F, v9;
	v8 =	vand.u32 $0x3F, v12  }
0x66: {  	v25 =	vshll.u32 v12, $0x7;
	v10 =	vor.u32 v6, v17;
	v17 =	vld [tilespmem:s30+$0x80];
	v16 =	vor.u32 v8, v6  }
0x67: {  	v24 =	vshll.u32 v12, $0xA;
	v63 =	vand.u32 $0x380, v25;
	v22 =	vld.idx.msk [tilespmem:v13+s15+$0x0], $0xffff  }
0x68: {  	v4 =	vsel vm0, $0x0, v1;
	v18 =	vand.u32 $0xE000, v18;
	v19 =	vand.u32 $0x380, v19;
	v23 =	vld.idx.msk [tilespmem:v14+s15+$0x0], $0xffff  }
0x69: {  	v12 =	vor.u32 v18, v19;
	v13 =	vld.idx.msk [tilespmem:v15+s15+$0x0], $0xffff;
	v15 =	vshll.u32 v11, $0xA;
	v11 =	vshll.u32 v11, $0x7  }
0x6a: {  	s3 =	simm.s32 $0x5;
	v19 =	vand.u32 $0x380, v21;
	v18 =	vld [tilespmem:s30+$0xFFFFFF00];
	v15 =	vand.u32 $0xE000, v15;
	v11 =	vand.u32 $0x380, v11  }
0x6b: {  	v21 =	vand.u32 $0xE000, v24;
	v8 =	vadd.s32 s3, v0;
	v14 =	vld.idx.msk [tilespmem:v16+s15+$0x0], $0xffff;
	v11 =	vor.u32 v15, v11  }
0x6c: {  	v12 =	vor.u32 v5, v12;
	v16 =	vand.u32 $0xE000, v20;
	v20 =	vld [tilespmem:s30+$0xFFFFFF80];
	v15 =	vor.u32 v5, v11  }
0x6d: {  	v24 =	vor.u32 v21, v63;
	v11 =	vor.u32 v16, v19;
	v19 =	vld [tilespmem:s30+$0x0];
	v21 =	vmul.f32 v23, v4  }
0x6e: {  	s0 =	simm.s32 $0x7;
	s31 =	simm.s32 $0x8;
	v16 =	vor.u32 v5, v11;
	v11 =	vor.u32 v5, v24;
	v22 =	vmul.f32 v22, v4  }
.LBB2_9:
0x6f: {  	p0 =	slt.u32 s31, $0x3C;
	v23 =	vadd.s32 s0, v0;
	v13 =	vmul.f32 v13, v4;
	v17 =	vadd.f32 v17, v21  }
0x70: {  	v14 =	vmul.f32 v14, v4;
	v21 =	vand.u32 $0x3F, v23;
	v18 =	vadd.f32 v18, v22  }
0x71: {  	v22 =	vand.u32 $0x3F, v8;
	v21 =	vor.u32 v21, v6;
	v13 =	vadd.f32 v20, v13;
	[tilespmem:v15+s18+$0x0] =	vst.idx.msk $0xffff, v17  }
0x72: {  	v15 =	vor.u32 v22, v6;
	v17 =	vand.u32 $0x3F, v7;
	[tilespmem:v12+s18+$0x0] =	vst.idx.msk $0xffff, v18;
	v12 =	vadd.f32 v19, v14  }
0x73: {  	v14 =	vadd.s32 s31, v0;
	v17 =	vor.u32 v17, v6;
	[tilespmem:v16+s18+$0x0] =	vst.idx.msk $0xffff, v13  }
0x74: {  	s0 =	sadd.s32 $0x1, s31;
	s3 =	sadd.s32 $0x2, s31;
	v18 =	vshll.u32 v9, $0x7;
	v13 =	vand.u32 $0x3F, v14;
	v16 =	vshll.u32 v9, $0xA;
	v9 =	vmovc v14;
	[tilespmem:v11+s18+$0x0] =	vst.idx.msk $0xffff, v12  }
0x75: {  	v11 =	vadd.s32 s0, v0;
	v12 =	vadd.s32 s3, v0;
	v14 =	vand.u32 $0xE000, v16;
	v22 =	vld.idx.msk [tilespmem:v10+s15+$0x0], $0xffff  }
0x76: {  	v19 =	vshll.u32 v8, $0x7;
	v16 =	vand.u32 $0x380, v18;
	v18 =	vshll.u32 v8, $0xA;
	v8 =	vmovc v11;
	v21 =	vld.idx.msk [tilespmem:v21+s15+$0x0], $0xffff  }
0x77: {  	v10 =	vor.u32 v6, v13;
	v11 =	vshll.u32 v7, $0xA;
	v13 =	vld.idx.msk [tilespmem:v15+s15+$0x0], $0xffff;
	v15 =	vshll.u32 v7, $0x7;
	v7 =	vmovc v12  }
0x78: {  	s30 =	sadd.s32 $0x200, s30;
	v20 =	vshll.u32 v23, $0x7;
	v12 =	vor.u32 v14, v16;
	v16 =	vshll.u32 v23, $0xA;
	v14 =	vld.idx.msk [tilespmem:v17+s15+$0x0], $0xffff  }
.Ltmp2:
0x79: {  	v20 =	vand.u32 $0x380, v20;
	v23 =	vand.u32 $0xE000, v18;
	v16 =	vand.u32 $0xE000, v16;
	v17 =	vld [tilespmem:s30+$0x80];
	(pc) =	sbr.rel @p0 .LBB2_9-.Ltmp2, $4  }
0x7a: {  	v19 =	vand.u32 $0x380, v19;
	v11 =	vand.u32 $0xE000, v11;
	v16 =	vor.u32 v16, v20;
	v18 =	vld [tilespmem:s30+$0xFFFFFF00]  }
0x7b: {  	v12 =	vor.u32 v5, v12;
	v24 =	vand.u32 $0x380, v15;
	v15 =	vor.u32 v5, v16;
	v20 =	vld [tilespmem:s30+$0xFFFFFF80]  }
0x7c: {  	v11 =	vor.u32 v11, v24;
	v16 =	vor.u32 v23, v19;
	v21 =	vmul.f32 v21, v4;
	v19 =	vld [tilespmem:s30+$0x0]  }
0x7d: {  	s0 =	sadd.s32 $0x3, s31;
	s31 =	sadd.s32 $0x4, s31;
	v22 =	vmul.f32 v22, v4;
	v11 =	vor.u32 v5, v11;
	v16 =	vor.u32 v5, v16  }
0x7e: {  	v23 =	vadd.s32 s0, v0  }
0x7f: {  	v25 =	vand.u32 $0x3F, v8;
	v26 =	vand.u32 $0x3F, v7;
	v13 =	vmul.f32 v13, v4  }
0x80: {  	v17 =	vadd.f32 v17, v21;
	v14 =	vmul.f32 v14, v4;
	v43 =	vshll.u32 v9, $0xA  }
0x81: {  	v44 =	vshll.u32 v9, $0x7;
	v24 =	vand.u32 $0x3F, v23;
	v25 =	vor.u32 v25, v6  }
0x82: {  	v47 =	vshll.u32 v8, $0xA;
	v48 =	vshll.u32 v8, $0x7;
	v24 =	vor.u32 v24, v6  }
0x83: {  	v10 =	vld.idx.msk [tilespmem:v10+s15+$0x0], $0xffff;
	v50 =	vshll.u32 v7, $0xA;
	v51 =	vshll.u32 v7, $0x7;
	s31 =	sadd.s32 $0x200, s30;
	v42 =	vor.u32 v26, v6  }
0x84: {  	v18 =	vadd.f32 v18, v22;
	v45 =	vand.u32 $0xE000, v43;
	v9 =	vand.u32 $0x380, v44;
	v56 =	vld [tilespmem:s31+$0xFFFFFF00]  }
0x85: {  	v52 =	vshll.u32 v23, $0xA;
	v23 =	vshll.u32 v23, $0x7;
	v54 =	vand.u32 $0xE000, v47;
	v58 =	vld [tilespmem:s31+$0xFFFFFF80]  }
0x86: {  	v8 =	vand.u32 $0x380, v48;
	v57 =	vand.u32 $0xE000, v50;
	v7 =	vand.u32 $0x380, v51;
	v49 =	vld.idx.msk [tilespmem:v25+s15+$0x0], $0xffff  }
0x87: {  	v13 =	vadd.f32 v20, v13;
	v9 =	vor.u32 v45, v9;
	v23 =	vand.u32 $0x380, v23;
	v46 =	vld.idx.msk [tilespmem:v24+s15+$0x0], $0xffff  }
0x88: {  	[tilespmem:v15+s18+$0x0] =	vst.idx.msk $0xffff, v17;
	v8 =	vor.u32 v54, v8;
	v7 =	vor.u32 v57, v7;
	v6 =	vld.idx.msk [tilespmem:v42+s15+$0x0], $0xffff  }
0x89: {  	v53 =	vld [tilespmem:s31+$0x80];
	v14 =	vadd.f32 v19, v14;
	[tilespmem:v12+s18+$0x0] =	vst.idx.msk $0xffff, v18;
	v9 =	vor.u32 v5, v9;
	v25 =	vand.u32 $0xE000, v52  }
0x8a: {  	v59 =	vld [tilespmem:s31+$0x0];
	v8 =	vor.u32 v5, v8;
	v10 =	vmul.f32 v10, v4;
	v55 =	vor.u32 v25, v23  }
0x8b: {  	s29 =	sadd.s32 $0x1, s29;
	[tilespmem:v16+s18+$0x0] =	vst.idx.msk $0xffff, v13;
	v17 =	vor.u32 v5, v55;
	v61 =	vmul.f32 v49, v4  }
0x8c: {  	p0 =	sne.s32 s29, $0x8;
	v10 =	vadd.f32 v56, v10;
	v5 =	vor.u32 v5, v7;
	v60 =	vmul.f32 v46, v4  }
.Ltmp3:
0x8d: {  	[tilespmem:v11+s18+$0x0] =	vst.idx.msk $0xffff, v14;
	v4 =	vmul.f32 v6, v4;
	v63 =	vadd.f32 v58, v61;
	(pc) =	sbr.rel @p0 .LBB2_8-.Ltmp3, $4  }
0x8e: {  	[tilespmem:v9+s18+$0x0] =	vst.idx.msk $0xffff, v10;
	v62 =	vadd.f32 v53, v60  }
0x8f: {  	v4 =	vadd.f32 v59, v4;
	[tilespmem:v8+s18+$0x0] =	vst.idx.msk $0xffff, v63  }
0x90: {  	[tilespmem:v17+s18+$0x0] =	vst.idx.msk $0xffff, v62  }
0x91: {  	[tilespmem:v5+s18+$0x0] =	vst.idx.msk $0xffff, v4  }
0x92: {  	p0 =	seq.s32 s24, $0x3  }
0x93: {  	s0 =	sadd.s32 @!p0 $0x500, s26;
	s3 =	simm.s32 @!p0 $0x80;
	s26 =	simm.s32 @!p0 $0x15A00  }
0x94: {  	[tilespmem:s26], [sflag:$0x1] =	stream.indirect.gather @!p0 [hbm4b:s5+s3], $0x80, s0, s3, $0xb8;
	[tilespmem:$0x1DA00] =	vst v63  }
0x95: {  	_ =	swait.ge [sflag:s19], $0x4000  }
0x96: {  	s31 =	sadd.s32 $0x80, s25;
	s25 =	sor.u32 $0x80, s25;
	[sflag:s19] =	ssyncset.done $0x0  }
0x97: {  	s28 =	simm.s32 $0x0;
	v3 =	vmov s31;
	s26 =	simm.s32 $0x0;
	[sflag:s19] =	ssyncadd.s32 $0xFFFFC000  }
.LBB2_12:
0x98: {  	_ =	sdelay $0x2  }
0x99: {  	s0 =	sshll.u32 s28, $0x4  }
0x9a: {  	v5 =	vld.idx.msk [tilespmem:v3+s0+$0x0 ss:$0x1], $0xffff;
	_ =	sdelay $0x1  }
0x9b: {  	v10 =	vadd.s32 s26, v0;
	s31 =	simm.s32 $0x1;
	s29 =	simm.s32 $0x2  }
0x9c: {  	s3 =	sor.u32 s25, s0;
	v6 =	vmov s0;
	v13 =	vadd.s32 s31, v0;
	v14 =	vadd.s32 s29, v0  }
0x9d: {  	v18 =	vshll.u32 v10, $0xA;
	v19 =	vshll.u32 v10, $0x7;
	v8 =	vor.u32 s3, v0  }
0x9e: {  	v11 =	vand.u32 $0x3F, v13;
	vm0 =	veq.s32 v5, $0x0;
	v5 =	vshll.u32 v5, $0x6  }
0x9f: {  	v18 =	vand.u32 $0xE000, v18;
	v7 =	vand.u32 $0x40, v5;
	v5 =	vshll.u32 v6, $0x7  }
0xa0: {  	v6 =	vmov s3;
	s3 =	simm.s32 $0x3;
	v9 =	vor.u32 v2, v5;
	v5 =	vand.u32 $0x7F, v8  }
0xa1: {  	v8 =	vand.u32 $0x3F, v10;
	v12 =	vadd.s32 s3, v0;
	v7 =	vor.u32 v9, v7  }
0xa2: {  	v19 =	vand.u32 $0x380, v19;
	v9 =	vand.u32 $0x3F, v12;
	v15 =	vor.u32 v7, v8  }
0xa3: {  	v21 =	vshll.u32 v13, $0x7;
	v13 =	vshll.u32 v13, $0xA;
	v16 =	vor.u32 v9, v7  }
0xa4: {  	v13 =	vand.u32 $0xE000, v13;
	v6 =	vshll.u32 v6, $0x3;
	v17 =	vor.u32 v11, v7  }
0xa5: {  	s31 =	simm.s32 $0x4;
	s29 =	simm.s32 $0x3B00;
	v4 =	vsel vm0, $0x0, v1;
	s3 =	simm.s32 $0x5;
	v6 =	vand.u32 $0x7FFFFC00, v6;
	v9 =	vand.u32 $0x3F, v14  }
0xa6: {  	v26 =	vld [tilespmem:s29+$0x80];
	v10 =	vadd.s32 s3, v0;
	v8 =	vadd.s32 s31, v0;
	v20 =	vor.u32 v9, v7  }
0xa7: {  	v11 =	vand.u32 $0x3F, v8;
	v22 =	vld.idx.msk [tilespmem:v15+s16+$0x0], $0xffff;
	v15 =	vshll.u32 v14, $0xA;
	v14 =	vshll.u32 v14, $0x7  }
0xa8: {  	v23 =	vld.idx.msk [tilespmem:v16+s16+$0x0], $0xffff;
	v16 =	vadd.s32 v6, v18;
	v18 =	vand.u32 $0x380, v21;
	v21 =	vshll.u32 v12, $0xA  }
0xa9: {  	v24 =	vld.idx.msk [tilespmem:v17+s16+$0x0], $0xffff;
	v12 =	vshll.u32 v12, $0x7;
	v25 =	vand.u32 $0x380, v14;
	v14 =	vand.u32 $0xE000, v21  }
0xaa: {  	v17 =	vld [tilespmem:s29+$0xFFFFFF00];
	v12 =	vand.u32 $0x380, v12;
	v19 =	vor.u32 v19, v16;
	v14 =	vadd.s32 v6, v14  }
0xab: {  	v15 =	vand.u32 $0xE000, v15;
	v16 =	vld.idx.msk [tilespmem:v20+s16+$0x0], $0xffff;
	v12 =	vor.u32 v12, v14;
	v14 =	vadd.s32 v6, v13  }
0xac: {  	s31 =	simm.s32 $0x6;
	v20 =	vadd.s32 v6, v15;
	v15 =	vor.u32 v5, v12;
	v12 =	vor.u32 v18, v14;
	v18 =	vld [tilespmem:s29+$0xFFFFFF80]  }
0xad: {  	v9 =	vadd.s32 s31, v0;
	v13 =	vor.u32 v5, v19;
	v19 =	vld [tilespmem:s29+$0x0];
	v23 =	vmul.f32 v23, v4  }
0xae: {  	v21 =	vmul.f32 v22, v4;
	v14 =	vor.u32 v5, v12;
	v12 =	vor.u32 v25, v20  }
0xaf: {  	s30 =	simm.s32 $0x8;
	s0 =	simm.s32 $0x7;
	v22 =	vmul.f32 v24, v4;
	v12 =	vor.u32 v5, v12;
	v20 =	vadd.f32 v26, v23  }
.LBB2_13:
0xb0: {  	p0 =	slt.u32 s30, $0x3C;
	v23 =	vadd.s32 s0, v0;
	v17 =	vadd.f32 v17, v21;
	v16 =	vmul.f32 v16, v4  }
0xb1: {  	v21 =	vor.u32 v7, v11;
	v11 =	vand.u32 $0x3F, v23;
	v18 =	vadd.f32 v18, v22;
	[tilespmem:v15+s18+$0x0] =	vst.idx.msk $0xffff, v20  }
0xb2: {  	v15 =	vand.u32 $0x3F, v10;
	v20 =	vor.u32 v11, v7;
	[tilespmem:v13+s18+$0x0] =	vst.idx.msk $0xffff, v17;
	v11 =	vadd.f32 v19, v16  }
0xb3: {  	v13 =	vadd.s32 s30, v0;
	v15 =	vor.u32 v15, v7;
	v16 =	vand.u32 $0x3F, v9;
	[tilespmem:v14+s18+$0x0] =	vst.idx.msk $0xffff, v18  }
0xb4: {  	s0 =	sadd.s32 $0x1, s30;
	s3 =	sadd.s32 $0x2, s30;
	v17 =	vshll.u32 v8, $0x7;
	v14 =	vshll.u32 v8, $0xA;
	v16 =	vor.u32 v16, v7;
	v8 =	vmovc v13;
	[tilespmem:v12+s18+$0x0] =	vst.idx.msk $0xffff, v11  }
0xb5: {  	v13 =	vadd.s32 s3, v0;
	v11 =	vand.u32 $0x3F, v8;
	v12 =	vadd.s32 s0, v0  }
0xb6: {  	v18 =	vand.u32 $0x380, v17;
	v17 =	vshll.u32 v10, $0x7;
	v14 =	vand.u32 $0xE000, v14;
	v21 =	vld.idx.msk [tilespmem:v21+s16+$0x0], $0xffff  }
0xb7: {  	v24 =	vshll.u32 v9, $0x7;
	v22 =	vshll.u32 v9, $0xA;
	v19 =	vshll.u32 v10, $0xA;
	v9 =	vmovc v13;
	v10 =	vmovc v12;
	v20 =	vld.idx.msk [tilespmem:v20+s16+$0x0], $0xffff  }
0xb8: {  	v13 =	vshll.u32 v23, $0xA;
	v12 =	vadd.s32 v6, v14;
	v14 =	vand.u32 $0x380, v17;
	v25 =	vld.idx.msk [tilespmem:v15+s16+$0x0], $0xffff  }
0xb9: {  	s29 =	sadd.s32 $0x200, s29;
	v24 =	vand.u32 $0x380, v24;
	v13 =	vand.u32 $0xE000, v13;
	v15 =	vshll.u32 v23, $0x7;
	v16 =	vld.idx.msk [tilespmem:v16+s16+$0x0], $0xffff  }
0xba: {  	v19 =	vand.u32 $0xE000, v19;
	v13 =	vadd.s32 v6, v13;
	v15 =	vand.u32 $0x380, v15;
	v23 =	vld [tilespmem:s29+$0x80]  }
.Ltmp4:
0xbb: {  	v22 =	vand.u32 $0xE000, v22;
	v12 =	vor.u32 v18, v12;
	v13 =	vor.u32 v15, v13;
	v17 =	vld [tilespmem:s29+$0xFFFFFF00];
	(pc) =	sbr.rel @p0 .LBB2_13-.Ltmp4, $4  }
0xbc: {  	v22 =	vadd.s32 v6, v22;
	v19 =	vadd.s32 v6, v19;
	v15 =	vor.u32 v5, v13;
	v18 =	vld [tilespmem:s29+$0xFFFFFF80]  }
0xbd: {  	v13 =	vor.u32 v5, v12;
	v12 =	vor.u32 v14, v19;
	v20 =	vmul.f32 v20, v4;
	v19 =	vld [tilespmem:s29+$0x0]  }
0xbe: {  	v21 =	vmul.f32 v21, v4;
	v14 =	vor.u32 v5, v12;
	v12 =	vor.u32 v24, v22  }
0xbf: {  	s0 =	sadd.s32 $0x3, s30;
	s30 =	sadd.s32 $0x4, s30;
	v22 =	vmul.f32 v25, v4;
	v12 =	vor.u32 v5, v12;
	v20 =	vadd.f32 v23, v20  }
0xc0: {  	v23 =	vadd.s32 s0, v0;
	v11 =	vor.u32 v7, v11;
	v25 =	vand.u32 $0x3F, v10  }
0xc1: {  	v16 =	vmul.f32 v16, v4;
	v26 =	vand.u32 $0x3F, v9;
	v17 =	vadd.f32 v17, v21  }
0xc2: {  	v44 =	vshll.u32 v8, $0xA;
	v45 =	vshll.u32 v8, $0x7;
	v46 =	vshll.u32 v10, $0x7  }
0xc3: {  	v47 =	vshll.u32 v10, $0xA;
	v24 =	vand.u32 $0x3F, v23;
	v25 =	vor.u32 v25, v7  }
0xc4: {  	v48 =	vshll.u32 v9, $0xA;
	v49 =	vshll.u32 v9, $0x7;
	s31 =	sadd.s32 $0x200, s29;
	v24 =	vor.u32 v24, v7  }
0xc5: {  	v18 =	vadd.f32 v18, v22;
	v43 =	vor.u32 v26, v7;
	v8 =	vand.u32 $0x380, v45;
	v55 =	vld [tilespmem:s31+$0xFFFFFF00]  }
0xc6: {  	v21 =	vand.u32 $0x380, v46;
	v50 =	vshll.u32 v23, $0xA;
	v9 =	vand.u32 $0x380, v49;
	v57 =	vld [tilespmem:s31+$0xFFFFFF80]  }
0xc7: {  	v52 =	vshll.u32 v23, $0x7;
	v10 =	vand.u32 $0xE000, v47;
	v56 =	vand.u32 $0xE000, v48;
	v11 =	vld.idx.msk [tilespmem:v11+s16+$0x0], $0xffff  }
0xc8: {  	[tilespmem:v15+s18+$0x0] =	vst.idx.msk $0xffff, v20;
	v16 =	vadd.f32 v19, v16;
	v19 =	vand.u32 $0xE000, v44;
	v51 =	vand.u32 $0xE000, v50;
	v25 =	vld.idx.msk [tilespmem:v25+s16+$0x0], $0xffff  }
0xc9: {  	[tilespmem:v13+s18+$0x0] =	vst.idx.msk $0xffff, v17;
	v10 =	vadd.s32 v6, v10;
	v19 =	vadd.s32 v6, v19;
	v24 =	vld.idx.msk [tilespmem:v24+s16+$0x0], $0xffff  }
0xca: {  	v58 =	vadd.s32 v6, v56;
	v15 =	vadd.s32 v6, v51;
	v8 =	vor.u32 v8, v19;
	v7 =	vld.idx.msk [tilespmem:v43+s16+$0x0], $0xffff  }
0xcb: {  	v53 =	vld [tilespmem:s31+$0x80];
	v54 =	vand.u32 $0x380, v52;
	[tilespmem:v14+s18+$0x0] =	vst.idx.msk $0xffff, v18;
	v10 =	vor.u32 v21, v10;
	v8 =	vor.u32 v5, v8  }
0xcc: {  	v59 =	vld [tilespmem:s31+$0x0];
	v15 =	vor.u32 v54, v15;
	v10 =	vor.u32 v5, v10;
	v11 =	vmul.f32 v11, v4  }
0xcd: {  	s28 =	sadd.s32 $0x1, s28;
	v6 =	vor.u32 v9, v58;
	v15 =	vor.u32 v5, v15;
	v61 =	vmul.f32 v25, v4  }
0xce: {  	p0 =	sne.s32 s28, $0x8;
	v5 =	vor.u32 v5, v6;
	v60 =	vmul.f32 v24, v4;
	v11 =	vadd.f32 v55, v11  }
.Ltmp5:
0xcf: {  	[tilespmem:v12+s18+$0x0] =	vst.idx.msk $0xffff, v16;
	v4 =	vmul.f32 v7, v4;
	v63 =	vadd.f32 v57, v61;
	(pc) =	sbr.rel @p0 .LBB2_12-.Ltmp5, $4  }
0xd0: {  	v62 =	vadd.f32 v53, v60;
	[tilespmem:v8+s18+$0x0] =	vst.idx.msk $0xffff, v11  }
0xd1: {  	v4 =	vadd.f32 v59, v4;
	[tilespmem:v10+s18+$0x0] =	vst.idx.msk $0xffff, v63  }
0xd2: {  	[tilespmem:v15+s18+$0x0] =	vst.idx.msk $0xffff, v62  }
0xd3: {  	[tilespmem:v5+s18+$0x0] =	vst.idx.msk $0xffff, v4  }
0xd4: {  	s24 =	sadd.s32 $0x1, s24  }
0xd5: {  	p0 =	sne.s32 s24, $0x4  }
.Ltmp6:
0xd6: {  	_ = 	snop;
	(pc) =	sbr.rel @p0 .LBB2_7-.Ltmp6, $1  }
0xd7: {  	_ =	sdelay $0x3  }
0xd8: {  	s22 =	sadd.s32 $0x1, s22  }
0xd9: {  	s0 =	sshll.u32 s23, $0xD;
	p0 =	sne.s32 s22, s8  }
.Ltmp7:
0xda: {  	s0 =	sadd.s32 s2, s0;
	(pc) =	sbr.rel @p0 .LBB2_2-.Ltmp7, $4  }
0xdb: {  	[hbm4b:s0+s4] =	stream.linear.scatter [tilespmem:s18], [sflag:$0x3], $0x10000, $0x38;
	[tilespmem:$0x1DA00] =	vst v63  }
0xdc: {  	_ =	swait.ge [sflag:s20], $0x10000  }
0xdd: {  	[sflag:s20] =	ssyncset.done $0x0  }
0xde: {  	[sflag:s20] =	ssyncadd.s32 $0xFFFF0000  }
0xdf: {  	s21 =	sadd.s32 $0x1, s21  }
0xe0: {  	p0 =	sne.s32 s21, s10  }
.Ltmp8:
0xe1: {  	_ = 	snop;
	(pc) =	sbr.rel @p0 .LBB2_1-.Ltmp8, $1  }
0xe2: {  	_ =	sdelay $0x3  }
0xe3: {  	_ =	sfence.sel $0x180000  }
0xe4: {  	[bflag:$0x0] =	sbarrier.arrive $0xFFFF  }
0xe5: {  	_ =	strace $0x9000004A  }
0xe6: {  	s0 =	stileid.u32;
	[bflag:$0x2] =	sbarrier.arrive $0xFFFF  }
0xe7: {  	p0 =	sne.s32 s0, $0x0;
	s0 =	rddreg [dreg:$0x3]  }
0xe8: {  	s0 =	sadd.s32 @!p0 $0x100000, s0  }
0xe9: {  	[sflag:s0] =	ssyncadd.tile.s32 @!p0 $0x1;
	_ =	shalt  }
.Lfunc_end2:
_tile_overlayer_lowered:
.L_overlay_start_2:
0xea: {  	(tag) =	ssettag $0x2  }
0xeb: {  	s0 =	rddreg [dreg:$0x0];
	s2 =	stileid.u32  }
0xec: {  	s1 =	rddreg [dreg:$0x1];
	p0 =	sne.s32 s2, $0x0  }
0xed: {  	s3 =	rddreg [dreg:$0x2];
	[bflag:$0x3] =	sbarrier.arrive $0xFFFF;
	s2 =	simm.s32 @!p0 $0x1C04  }
0xee: {  	[timem:s3], [sflag:s2] =	dma.local @!p0 [hbm:s0], s1  }
0xef: {  	s0 =	simm.s32 @!p0 $0x4  }
0xf0: {  	_ =	swait.ge @!p0 [sflag:s0], s1  }
0xf1: {  	s1 =	ssub.s32 @!p0 $0x0, s1;
	[sflag:s0] =	ssyncset.done @!p0 $0x0  }
0xf2: {  	[sflag:s0] =	ssyncadd.s32 @!p0 s1  }
0xf3: {  	[bflag:$0x3] =	sbarrier.arrive $0xFFFF  }
0xf4: {  	_ =	shalt  }

</sc_bundles>
